<compile_context>
chip_gen: v7x
topology: tpu7x:2x2x1
jax: 0.10.2.dev20260603
libtpu: 0.0.44.dev20260713+nightly
codegen_flags: <defaults>
</compile_context>

<pallas_src>
import functools

import jax
import jax.numpy as jnp
from jax import lax
from jax.experimental import pallas as pl
from jax.experimental.pallas import tpu as pltpu
from jax.experimental.pallas import tpu_sc as plsc

L = 16
SPLIT = 2
NBUF = 4


def kernel(h, indicies, emb_weight):
    B, _, D = h.shape
    S = indicies.shape[1]
    NW = 32
    RPW = B // NW
    SS = S // SPLIT
    NG = (S + L - 1) // L
    s_bases = [min(g * L, S - L) for g in range(NG)]

    idx = indicies.astype(jnp.int32).reshape(NW, RPW, SPLIT, SS)
    h2 = h.reshape(B, D)
    hdup = jnp.concatenate([h2, h2[:, :L]], axis=1).reshape(NW, RPW, D + L)

    mesh = plsc.VectorSubcoreMesh(core_axis_name="c", subcore_axis_name="s")

    @functools.partial(
        pl.kernel,
        out_type=jax.ShapeDtypeStruct((NW, RPW * S), jnp.float32),
        mesh=mesh,
        compiler_params=pltpu.CompilerParams(
            needs_layout_passes=False, use_tc_tiling_on_sc=False
        ),
        scratch_types=[
            pltpu.VMEM((RPW, SPLIT, SS), jnp.int32),
            pltpu.VMEM((RPW, D + L), jnp.float32),
            pltpu.VMEM((RPW * S,), jnp.float32),
            pltpu.VMEM((NBUF, S, D), jnp.float32),
            [pltpu.SemaphoreType.DMA] * NBUF,
        ],
    )
    def run(idx_hbm, h_hbm, tbl_hbm, out_hbm, idx_v, h_v, out_v, rows_v, sems):
        wid = lax.axis_index("s") * 2 + lax.axis_index("c")
        pltpu.sync_copy(idx_hbm.at[wid], idx_v)
        pltpu.sync_copy(h_hbm.at[wid], h_v)

        lane = lax.iota(jnp.int32, L)
        sidx = [sb + lane for sb in s_bases]

        def fire(r, b):
            for j in range(SPLIT):
                pltpu.async_copy(
                    tbl_hbm.at[idx_v.at[r, j]],
                    rows_v.at[b, pl.ds(j * SS, SS)],
                    sems[b],
                )

        def drain(b):
            pltpu.make_async_copy(
                tbl_hbm.at[pl.ds(0, S)], rows_v.at[b], sems[b]
            ).wait()

        for b in range(NBUF - 1):
            fire(b, b)

        @pl.loop(0, RPW // NBUF)
        def row_loop(rp):
            for k in range(NBUF):
                r = rp * NBUF + k
                drain(k)

                @pl.when(r + NBUF - 1 < RPW)
                def _():
                    fire(r + NBUF - 1, (k + NBUF - 1) % NBUF)

                init = (jnp.zeros((L,), jnp.float32),) * NG

                @pl.loop(0, D, init_carry=init)
                def d_loop(d, accs):
                    dvec = lane + d
                    dvec = jnp.where(dvec >= D, dvec - D, dvec)
                    hrot = h_v[r, pl.ds(d, L)]
                    return tuple(
                        accs[g]
                        + plsc.load_gather(rows_v.at[k], [sidx[g], dvec])
                        * hrot
                        for g in range(NG)
                    )

                for g in range(NG):
                    out_v[pl.ds(r * S + s_bases[g], L)] = d_loop[g]

        pltpu.sync_copy(out_v, out_hbm.at[wid])

    out = run(idx, hdup, emb_weight)
    return out.reshape(B, 1, S)

# --- scband reference (transcript-rebuilt; emitter-appended) ---
"""Pipeline reference for scband-embedding-dot-28810640621861 (READ-ONLY COPY).

The authoritative reference and input builder live on the scoring server;
editing this copy changes nothing except your own understanding.
"""

import jax, jax.numpy as jnp
import numpy as np

D_MODEL = 64
NUM_ITEM = 1000000
BATCH = 4096
SAMPLE = 200

def setup_inputs(seed: int = 0) -> dict:
    key = jax.random.key(seed)
    k1, k2, k3 = jax.random.split(key, 3)
    h = jax.random.normal(k1, (BATCH, 1, D_MODEL), dtype=jnp.float32)
    indicies = jax.random.randint(k2, (BATCH, SAMPLE), 0, NUM_ITEM, dtype=jnp.int64)
    # embedding table initialized ~ N(0, init_embedding_std=1)
    emb_weight = jax.random.normal(k3, (NUM_ITEM, D_MODEL), dtype=jnp.float32)
    return {"h": h, "indicies": indicies, "emb_weight": emb_weight}

def reference(h, indicies, emb_weight):
    # embedding lookup: w[b, s, :] = emb_weight[indicies[b, s], :]
    w = jnp.take(emb_weight, indicies, axis=0)
    w = jnp.reshape(w, (-1, indicies.shape[1], D_MODEL))
    # out = h @ w^T over last two dims: (B,1,d) x (B,d,S) -> (B,1,S)
    out = jnp.matmul(h, jnp.swapaxes(w, -1, -2))
    return out

if __name__ == "__main__":
    import jax
    _d = setup_inputs()
    print(jax.jit(kernel)(*tuple(_d.values())))

</pallas_src>

<mosaic_0001>
#map = affine_map<(d0, d1) -> (0, 0, 0, 0)>
#map1 = affine_map<(d0, d1) -> (0, 0, 0)>
#map2 = affine_map<(d0, d1) -> (0, 0)>
module attributes {stable_mosaic.version = 14 : i64} {
  func.func @run(%arg0: i32, %arg1: i32, %arg2: memref<32x128x2x100xi32, #tpu.memory_space<hbm>>, %arg3: memref<32x128x80xf32, #tpu.memory_space<hbm>>, %arg4: memref<1000000x64xf32, #tpu.memory_space<hbm>>, %arg5: memref<32x25600xf32, #tpu.memory_space<hbm>>, %arg6: memref<128x2x100xi32, #tpu.memory_space<vmem>>, %arg7: memref<128x80xf32, #tpu.memory_space<vmem>>, %arg8: memref<25600xf32, #tpu.memory_space<vmem>>, %arg9: memref<4x200x64xf32, #tpu.memory_space<vmem>>, %arg10: memref<!tpu.dma_semaphore, #tpu.memory_space<semaphore_mem>>, %arg11: memref<!tpu.dma_semaphore, #tpu.memory_space<semaphore_mem>>, %arg12: memref<!tpu.dma_semaphore, #tpu.memory_space<semaphore_mem>>, %arg13: memref<!tpu.dma_semaphore, #tpu.memory_space<semaphore_mem>>) attributes {dimension_semantics = [#tpu.dimension_semantics<core_parallel>, #tpu.dimension_semantics<subcore_parallel>], iteration_bounds = array<i64: 2, 16>, scalar_prefetch = 0 : i64, scratch_operands = 8 : i64, tpu.core_type = #tpu.core_type<sc_vector_subcore>, window_params = [{transform_indices = #map}, {transform_indices = #map1}, {transform_indices = #map2}, {transform_indices = #map2}]} {
    %mul3A = arith.constant 2 : i32
    %mul3A_0 = arith.muli %arg1, %mul3A : i32
    %add3A = arith.addi %mul3A_0, %arg0 : i32
    "tpu.region"() ({
      %run_scoped3A = tpu.sem_alloc : memref<!tpu.dma_semaphore, #tpu.memory_space<semaphore_mem>>
      %dma_start3A_121 = arith.constant 0 : i32
      %dma_start3A_122 = arith.constant 0 : i32
      %dma_start3A_123 = arith.constant 0 : i32
      %dma_start3A_124 = tpu.memref_slice %arg2[%add3A, %dma_start3A_121, %dma_start3A_122, %dma_start3A_123] : memref<32x128x2x100xi32, #tpu.memory_space<hbm>> -> memref<1x128x2x100xi32, #tpu.memory_space<hbm>>
      %dma_start3A_125 = tpu.memref_squeeze %dma_start3A_124 : memref<1x128x2x100xi32, #tpu.memory_space<hbm>> -> memref<128x2x100xi32, #tpu.memory_space<hbm>>
      %dma_start3A_126 = arith.constant 0 : i32
      %dma_start3A_127 = arith.constant 0 : i32
      %dma_start3A_128 = arith.constant 0 : i32
      %dma_start3A_129 = tpu.memref_slice %arg2[%add3A, %dma_start3A_126, %dma_start3A_127, %dma_start3A_128] : memref<32x128x2x100xi32, #tpu.memory_space<hbm>> -> memref<1x128x2x100xi32, #tpu.memory_space<hbm>>
      %dma_start3A_130 = tpu.memref_squeeze %dma_start3A_129 : memref<1x128x2x100xi32, #tpu.memory_space<hbm>> -> memref<128x2x100xi32, #tpu.memory_space<hbm>>
      tpu.enqueue_dma source(%dma_start3A_130 : memref<128x2x100xi32, #tpu.memory_space<hbm>>) target(%arg6 : memref<128x2x100xi32, #tpu.memory_space<vmem>>) target_semaphore(%run_scoped3A : memref<!tpu.dma_semaphore, #tpu.memory_space<semaphore_mem>>)
      %dma_wait3A = arith.constant 0 : i32
      %dma_wait3A_131 = arith.constant 0 : i32
      %dma_wait3A_132 = arith.constant 0 : i32
      %dma_wait3A_133 = tpu.memref_slice %arg2[%add3A, %dma_wait3A, %dma_wait3A_131, %dma_wait3A_132] : memref<32x128x2x100xi32, #tpu.memory_space<hbm>> -> memref<1x128x2x100xi32, #tpu.memory_space<hbm>>
      %dma_wait3A_134 = tpu.memref_squeeze %dma_wait3A_133 : memref<1x128x2x100xi32, #tpu.memory_space<hbm>> -> memref<128x2x100xi32, #tpu.memory_space<hbm>>
      %dma_wait3A_135 = arith.constant 0 : i32
      %dma_wait3A_136 = arith.constant 0 : i32
      %dma_wait3A_137 = arith.constant 0 : i32
      %dma_wait3A_138 = tpu.memref_slice %arg2[%add3A, %dma_wait3A_135, %dma_wait3A_136, %dma_wait3A_137] : memref<32x128x2x100xi32, #tpu.memory_space<hbm>> -> memref<1x128x2x100xi32, #tpu.memory_space<hbm>>
      %dma_wait3A_139 = tpu.memref_squeeze %dma_wait3A_138 : memref<1x128x2x100xi32, #tpu.memory_space<hbm>> -> memref<128x2x100xi32, #tpu.memory_space<hbm>>
      tpu.wait_dma2 semaphore(%run_scoped3A : memref<!tpu.dma_semaphore, #tpu.memory_space<semaphore_mem>>) src(%dma_wait3A_139 : memref<128x2x100xi32, #tpu.memory_space<hbm>>) dst(%arg6 : memref<128x2x100xi32, #tpu.memory_space<vmem>>)
      tpu.yield
    }) : () -> ()
    "tpu.region"() ({
      %run_scoped3A = tpu.sem_alloc : memref<!tpu.dma_semaphore, #tpu.memory_space<semaphore_mem>>
      %dma_start3A_121 = arith.constant 0 : i32
      %dma_start3A_122 = arith.constant 0 : i32
      %dma_start3A_123 = tpu.memref_slice %arg3[%add3A, %dma_start3A_121, %dma_start3A_122] : memref<32x128x80xf32, #tpu.memory_space<hbm>> -> memref<1x128x80xf32, #tpu.memory_space<hbm>>
      %dma_start3A_124 = tpu.memref_squeeze %dma_start3A_123 : memref<1x128x80xf32, #tpu.memory_space<hbm>> -> memref<128x80xf32, #tpu.memory_space<hbm>>
      %dma_start3A_125 = arith.constant 0 : i32
      %dma_start3A_126 = arith.constant 0 : i32
      %dma_start3A_127 = tpu.memref_slice %arg3[%add3A, %dma_start3A_125, %dma_start3A_126] : memref<32x128x80xf32, #tpu.memory_space<hbm>> -> memref<1x128x80xf32, #tpu.memory_space<hbm>>
      %dma_start3A_128 = tpu.memref_squeeze %dma_start3A_127 : memref<1x128x80xf32, #tpu.memory_space<hbm>> -> memref<128x80xf32, #tpu.memory_space<hbm>>
      tpu.enqueue_dma source(%dma_start3A_128 : memref<128x80xf32, #tpu.memory_space<hbm>>) target(%arg7 : memref<128x80xf32, #tpu.memory_space<vmem>>) target_semaphore(%run_scoped3A : memref<!tpu.dma_semaphore, #tpu.memory_space<semaphore_mem>>)
      %dma_wait3A = arith.constant 0 : i32
      %dma_wait3A_129 = arith.constant 0 : i32
      %dma_wait3A_130 = tpu.memref_slice %arg3[%add3A, %dma_wait3A, %dma_wait3A_129] : memref<32x128x80xf32, #tpu.memory_space<hbm>> -> memref<1x128x80xf32, #tpu.memory_space<hbm>>
      %dma_wait3A_131 = tpu.memref_squeeze %dma_wait3A_130 : memref<1x128x80xf32, #tpu.memory_space<hbm>> -> memref<128x80xf32, #tpu.memory_space<hbm>>
      %dma_wait3A_132 = arith.constant 0 : i32
      %dma_wait3A_133 = arith.constant 0 : i32
      %dma_wait3A_134 = tpu.memref_slice %arg3[%add3A, %dma_wait3A_132, %dma_wait3A_133] : memref<32x128x80xf32, #tpu.memory_space<hbm>> -> memref<1x128x80xf32, #tpu.memory_space<hbm>>
      %dma_wait3A_135 = tpu.memref_squeeze %dma_wait3A_134 : memref<1x128x80xf32, #tpu.memory_space<hbm>> -> memref<128x80xf32, #tpu.memory_space<hbm>>
      tpu.wait_dma2 semaphore(%run_scoped3A : memref<!tpu.dma_semaphore, #tpu.memory_space<semaphore_mem>>) src(%dma_wait3A_135 : memref<128x80xf32, #tpu.memory_space<hbm>>) dst(%arg7 : memref<128x80xf32, #tpu.memory_space<vmem>>)
      tpu.yield
    }) : () -> ()
    %iota3A = tpu.iota {dimensions = array<i32: 0>} : vector<16xi32>
    %add3A_1 = arith.constant 0 : i32
    %add3A_2 = vector.broadcast %add3A_1 : i32 to vector<16xi32>
    %add3A_3 = arith.addi %add3A_2, %iota3A : vector<16xi32>
    %add3A_4 = arith.constant 16 : i32
    %add3A_5 = vector.broadcast %add3A_4 : i32 to vector<16xi32>
    %add3A_6 = arith.addi %add3A_5, %iota3A : vector<16xi32>
    %add3A_7 = arith.constant 32 : i32
    %add3A_8 = vector.broadcast %add3A_7 : i32 to vector<16xi32>
    %add3A_9 = arith.addi %add3A_8, %iota3A : vector<16xi32>
    %add3A_10 = arith.constant 48 : i32
    %add3A_11 = vector.broadcast %add3A_10 : i32 to vector<16xi32>
    %add3A_12 = arith.addi %add3A_11, %iota3A : vector<16xi32>
    %add3A_13 = arith.constant 64 : i32
    %add3A_14 = vector.broadcast %add3A_13 : i32 to vector<16xi32>
    %add3A_15 = arith.addi %add3A_14, %iota3A : vector<16xi32>
    %add3A_16 = arith.constant 80 : i32
    %add3A_17 = vector.broadcast %add3A_16 : i32 to vector<16xi32>
    %add3A_18 = arith.addi %add3A_17, %iota3A : vector<16xi32>
    %add3A_19 = arith.constant 96 : i32
    %add3A_20 = vector.broadcast %add3A_19 : i32 to vector<16xi32>
    %add3A_21 = arith.addi %add3A_20, %iota3A : vector<16xi32>
    %add3A_22 = arith.constant 112 : i32
    %add3A_23 = vector.broadcast %add3A_22 : i32 to vector<16xi32>
    %add3A_24 = arith.addi %add3A_23, %iota3A : vector<16xi32>
    %add3A_25 = arith.constant 128 : i32
    %add3A_26 = vector.broadcast %add3A_25 : i32 to vector<16xi32>
    %add3A_27 = arith.addi %add3A_26, %iota3A : vector<16xi32>
    %add3A_28 = arith.constant 144 : i32
    %add3A_29 = vector.broadcast %add3A_28 : i32 to vector<16xi32>
    %add3A_30 = arith.addi %add3A_29, %iota3A : vector<16xi32>
    %add3A_31 = arith.constant 160 : i32
    %add3A_32 = vector.broadcast %add3A_31 : i32 to vector<16xi32>
    %add3A_33 = arith.addi %add3A_32, %iota3A : vector<16xi32>
    %add3A_34 = arith.constant 176 : i32
    %add3A_35 = vector.broadcast %add3A_34 : i32 to vector<16xi32>
    %add3A_36 = arith.addi %add3A_35, %iota3A : vector<16xi32>
    %add3A_37 = arith.constant 184 : i32
    %add3A_38 = vector.broadcast %add3A_37 : i32 to vector<16xi32>
    %add3A_39 = arith.addi %add3A_38, %iota3A : vector<16xi32>
    %dma_start3A = arith.constant 0 : i32
    %dma_start3A_40 = arith.constant 0 : i32
    %dma_start3A_41 = arith.constant 0 : i32
    %dma_start3A_42 = arith.constant 0 : i32
    %dma_start3A_43 = arith.constant 0 : i32
    %dma_start3A_44 = tpu.memref_slice %arg9[%dma_start3A_41, %dma_start3A_42, %dma_start3A_43] : memref<4x200x64xf32, #tpu.memory_space<vmem>> -> memref<1x100x64xf32, #tpu.memory_space<vmem>>
    %dma_start3A_45 = tpu.memref_squeeze %dma_start3A_44 : memref<1x100x64xf32, #tpu.memory_space<vmem>> -> memref<100x64xf32, #tpu.memory_space<vmem>>
    %dma_start3A_46 = arith.constant 0 : i32
    %dma_start3A_47 = tpu.memref_slice %arg6[%dma_start3A, %dma_start3A_40, %dma_start3A_46] : memref<128x2x100xi32, #tpu.memory_space<vmem>> -> memref<1x1x100xi32, #tpu.memory_space<vmem>>
    %dma_start3A_48 = tpu.memref_squeeze %dma_start3A_47 : memref<1x1x100xi32, #tpu.memory_space<vmem>> -> memref<100xi32, #tpu.memory_space<vmem>>
    %dma_start3A_49 = arith.constant 0 : i32
    %dma_start3A_50 = arith.constant 0 : i32
    %dma_start3A_51 = tpu.memref_slice %arg4[%dma_start3A_49, %dma_start3A_50] : memref<1000000x64xf32, #tpu.memory_space<hbm>> -> memref<1000000x64xf32, #tpu.memory_space<hbm>>
    tpu.enqueue_indirect_dma source(%dma_start3A_51 : memref<1000000x64xf32, #tpu.memory_space<hbm>>) target(%dma_start3A_45 : memref<100x64xf32, #tpu.memory_space<vmem>>) offsets(%dma_start3A_48 : memref<100xi32, #tpu.memory_space<vmem>>) semaphore(%arg10 : memref<!tpu.dma_semaphore, #tpu.memory_space<semaphore_mem>>)
    %dma_start3A_52 = arith.constant 0 : i32
    %dma_start3A_53 = arith.constant 1 : i32
    %dma_start3A_54 = arith.constant 0 : i32
    %dma_start3A_55 = arith.constant 100 : i32
    %dma_start3A_56 = arith.constant 0 : i32
    %dma_start3A_57 = tpu.memref_slice %arg9[%dma_start3A_54, %dma_start3A_55, %dma_start3A_56] : memref<4x200x64xf32, #tpu.memory_space<vmem>> -> memref<1x100x64xf32, #tpu.memory_space<vmem>>
    %dma_start3A_58 = tpu.memref_squeeze %dma_start3A_57 : memref<1x100x64xf32, #tpu.memory_space<vmem>> -> memref<100x64xf32, #tpu.memory_space<vmem>>
    %dma_start3A_59 = arith.constant 0 : i32
    %dma_start3A_60 = tpu.memref_slice %arg6[%dma_start3A_52, %dma_start3A_53, %dma_start3A_59] : memref<128x2x100xi32, #tpu.memory_space<vmem>> -> memref<1x1x100xi32, #tpu.memory_space<vmem>>
    %dma_start3A_61 = tpu.memref_squeeze %dma_start3A_60 : memref<1x1x100xi32, #tpu.memory_space<vmem>> -> memref<100xi32, #tpu.memory_space<vmem>>
    %dma_start3A_62 = arith.constant 0 : i32
    %dma_start3A_63 = arith.constant 0 : i32
    %dma_start3A_64 = tpu.memref_slice %arg4[%dma_start3A_62, %dma_start3A_63] : memref<1000000x64xf32, #tpu.memory_space<hbm>> -> memref<1000000x64xf32, #tpu.memory_space<hbm>>
    tpu.enqueue_indirect_dma source(%dma_start3A_64 : memref<1000000x64xf32, #tpu.memory_space<hbm>>) target(%dma_start3A_58 : memref<100x64xf32, #tpu.memory_space<vmem>>) offsets(%dma_start3A_61 : memref<100xi32, #tpu.memory_space<vmem>>) semaphore(%arg10 : memref<!tpu.dma_semaphore, #tpu.memory_space<semaphore_mem>>)
    %dma_start3A_65 = arith.constant 1 : i32
    %dma_start3A_66 = arith.constant 0 : i32
    %dma_start3A_67 = arith.constant 1 : i32
    %dma_start3A_68 = arith.constant 0 : i32
    %dma_start3A_69 = arith.constant 0 : i32
    %dma_start3A_70 = tpu.memref_slice %arg9[%dma_start3A_67, %dma_start3A_68, %dma_start3A_69] : memref<4x200x64xf32, #tpu.memory_space<vmem>> -> memref<1x100x64xf32, #tpu.memory_space<vmem>>
    %dma_start3A_71 = tpu.memref_squeeze %dma_start3A_70 : memref<1x100x64xf32, #tpu.memory_space<vmem>> -> memref<100x64xf32, #tpu.memory_space<vmem>>
    %dma_start3A_72 = arith.constant 0 : i32
    %dma_start3A_73 = tpu.memref_slice %arg6[%dma_start3A_65, %dma_start3A_66, %dma_start3A_72] : memref<128x2x100xi32, #tpu.memory_space<vmem>> -> memref<1x1x100xi32, #tpu.memory_space<vmem>>
    %dma_start3A_74 = tpu.memref_squeeze %dma_start3A_73 : memref<1x1x100xi32, #tpu.memory_space<vmem>> -> memref<100xi32, #tpu.memory_space<vmem>>
    %dma_start3A_75 = arith.constant 0 : i32
    %dma_start3A_76 = arith.constant 0 : i32
    %dma_start3A_77 = tpu.memref_slice %arg4[%dma_start3A_75, %dma_start3A_76] : memref<1000000x64xf32, #tpu.memory_space<hbm>> -> memref<1000000x64xf32, #tpu.memory_space<hbm>>
    tpu.enqueue_indirect_dma source(%dma_start3A_77 : memref<1000000x64xf32, #tpu.memory_space<hbm>>) target(%dma_start3A_71 : memref<100x64xf32, #tpu.memory_space<vmem>>) offsets(%dma_start3A_74 : memref<100xi32, #tpu.memory_space<vmem>>) semaphore(%arg11 : memref<!tpu.dma_semaphore, #tpu.memory_space<semaphore_mem>>)
    %dma_start3A_78 = arith.constant 1 : i32
    %dma_start3A_79 = arith.constant 1 : i32
    %dma_start3A_80 = arith.constant 1 : i32
    %dma_start3A_81 = arith.constant 100 : i32
    %dma_start3A_82 = arith.constant 0 : i32
    %dma_start3A_83 = tpu.memref_slice %arg9[%dma_start3A_80, %dma_start3A_81, %dma_start3A_82] : memref<4x200x64xf32, #tpu.memory_space<vmem>> -> memref<1x100x64xf32, #tpu.memory_space<vmem>>
    %dma_start3A_84 = tpu.memref_squeeze %dma_start3A_83 : memref<1x100x64xf32, #tpu.memory_space<vmem>> -> memref<100x64xf32, #tpu.memory_space<vmem>>
    %dma_start3A_85 = arith.constant 0 : i32
    %dma_start3A_86 = tpu.memref_slice %arg6[%dma_start3A_78, %dma_start3A_79, %dma_start3A_85] : memref<128x2x100xi32, #tpu.memory_space<vmem>> -> memref<1x1x100xi32, #tpu.memory_space<vmem>>
    %dma_start3A_87 = tpu.memref_squeeze %dma_start3A_86 : memref<1x1x100xi32, #tpu.memory_space<vmem>> -> memref<100xi32, #tpu.memory_space<vmem>>
    %dma_start3A_88 = arith.constant 0 : i32
    %dma_start3A_89 = arith.constant 0 : i32
    %dma_start3A_90 = tpu.memref_slice %arg4[%dma_start3A_88, %dma_start3A_89] : memref<1000000x64xf32, #tpu.memory_space<hbm>> -> memref<1000000x64xf32, #tpu.memory_space<hbm>>
    tpu.enqueue_indirect_dma source(%dma_start3A_90 : memref<1000000x64xf32, #tpu.memory_space<hbm>>) target(%dma_start3A_84 : memref<100x64xf32, #tpu.memory_space<vmem>>) offsets(%dma_start3A_87 : memref<100xi32, #tpu.memory_space<vmem>>) semaphore(%arg11 : memref<!tpu.dma_semaphore, #tpu.memory_space<semaphore_mem>>)
    %dma_start3A_91 = arith.constant 2 : i32
    %dma_start3A_92 = arith.constant 0 : i32
    %dma_start3A_93 = arith.constant 2 : i32
    %dma_start3A_94 = arith.constant 0 : i32
    %dma_start3A_95 = arith.constant 0 : i32
    %dma_start3A_96 = tpu.memref_slice %arg9[%dma_start3A_93, %dma_start3A_94, %dma_start3A_95] : memref<4x200x64xf32, #tpu.memory_space<vmem>> -> memref<1x100x64xf32, #tpu.memory_space<vmem>>
    %dma_start3A_97 = tpu.memref_squeeze %dma_start3A_96 : memref<1x100x64xf32, #tpu.memory_space<vmem>> -> memref<100x64xf32, #tpu.memory_space<vmem>>
    %dma_start3A_98 = arith.constant 0 : i32
    %dma_start3A_99 = tpu.memref_slice %arg6[%dma_start3A_91, %dma_start3A_92, %dma_start3A_98] : memref<128x2x100xi32, #tpu.memory_space<vmem>> -> memref<1x1x100xi32, #tpu.memory_space<vmem>>
    %dma_start3A_100 = tpu.memref_squeeze %dma_start3A_99 : memref<1x1x100xi32, #tpu.memory_space<vmem>> -> memref<100xi32, #tpu.memory_space<vmem>>
    %dma_start3A_101 = arith.constant 0 : i32
    %dma_start3A_102 = arith.constant 0 : i32
    %dma_start3A_103 = tpu.memref_slice %arg4[%dma_start3A_101, %dma_start3A_102] : memref<1000000x64xf32, #tpu.memory_space<hbm>> -> memref<1000000x64xf32, #tpu.memory_space<hbm>>
    tpu.enqueue_indirect_dma source(%dma_start3A_103 : memref<1000000x64xf32, #tpu.memory_space<hbm>>) target(%dma_start3A_97 : memref<100x64xf32, #tpu.memory_space<vmem>>) offsets(%dma_start3A_100 : memref<100xi32, #tpu.memory_space<vmem>>) semaphore(%arg12 : memref<!tpu.dma_semaphore, #tpu.memory_space<semaphore_mem>>)
    %dma_start3A_104 = arith.constant 2 : i32
    %dma_start3A_105 = arith.constant 1 : i32
    %dma_start3A_106 = arith.constant 2 : i32
    %dma_start3A_107 = arith.constant 100 : i32
    %dma_start3A_108 = arith.constant 0 : i32
    %dma_start3A_109 = tpu.memref_slice %arg9[%dma_start3A_106, %dma_start3A_107, %dma_start3A_108] : memref<4x200x64xf32, #tpu.memory_space<vmem>> -> memref<1x100x64xf32, #tpu.memory_space<vmem>>
    %dma_start3A_110 = tpu.memref_squeeze %dma_start3A_109 : memref<1x100x64xf32, #tpu.memory_space<vmem>> -> memref<100x64xf32, #tpu.memory_space<vmem>>
    %dma_start3A_111 = arith.constant 0 : i32
    %dma_start3A_112 = tpu.memref_slice %arg6[%dma_start3A_104, %dma_start3A_105, %dma_start3A_111] : memref<128x2x100xi32, #tpu.memory_space<vmem>> -> memref<1x1x100xi32, #tpu.memory_space<vmem>>
    %dma_start3A_113 = tpu.memref_squeeze %dma_start3A_112 : memref<1x1x100xi32, #tpu.memory_space<vmem>> -> memref<100xi32, #tpu.memory_space<vmem>>
    %dma_start3A_114 = arith.constant 0 : i32
    %dma_start3A_115 = arith.constant 0 : i32
    %dma_start3A_116 = tpu.memref_slice %arg4[%dma_start3A_114, %dma_start3A_115] : memref<1000000x64xf32, #tpu.memory_space<hbm>> -> memref<1000000x64xf32, #tpu.memory_space<hbm>>
    tpu.enqueue_indirect_dma source(%dma_start3A_116 : memref<1000000x64xf32, #tpu.memory_space<hbm>>) target(%dma_start3A_110 : memref<100x64xf32, #tpu.memory_space<vmem>>) offsets(%dma_start3A_113 : memref<100xi32, #tpu.memory_space<vmem>>) semaphore(%arg12 : memref<!tpu.dma_semaphore, #tpu.memory_space<semaphore_mem>>)
    %scan3A = arith.constant 0 : i32
    %scan3A_117 = arith.constant 32 : i32
    %scan3A_118 = arith.addi %scan3A, %scan3A_117 : i32
    %scan3A_119 = arith.constant 1 : i32
    scf.for %scan3A_121 = %scan3A to %scan3A_118 step %scan3A_119  : i32 {
      %mul3A_122 = arith.constant 1 : i32
      %mul3A_123 = arith.muli %scan3A_121, %mul3A_122 : i32
      %add3A_124 = arith.constant 0 : i32
      %add3A_125 = arith.addi %add3A_124, %mul3A_123 : i32
      %mul3A_126 = arith.constant 4 : i32
      %mul3A_127 = arith.muli %add3A_125, %mul3A_126 : i32
      %add3A_128 = arith.constant 0 : i32
      %add3A_129 = arith.addi %mul3A_127, %add3A_128 : i32
      %dma_wait3A = arith.constant 0 : i32
      %dma_wait3A_130 = arith.constant 0 : i32
      %dma_wait3A_131 = arith.constant 0 : i32
      %dma_wait3A_132 = tpu.memref_slice %arg9[%dma_wait3A, %dma_wait3A_130, %dma_wait3A_131] : memref<4x200x64xf32, #tpu.memory_space<vmem>> -> memref<1x200x64xf32, #tpu.memory_space<vmem>>
      %dma_wait3A_133 = tpu.memref_squeeze %dma_wait3A_132 : memref<1x200x64xf32, #tpu.memory_space<vmem>> -> memref<200x64xf32, #tpu.memory_space<vmem>>
      %dma_wait3A_134 = arith.constant 0 : i32
      %dma_wait3A_135 = arith.constant 0 : i32
      %dma_wait3A_136 = tpu.memref_slice %arg4[%dma_wait3A_134, %dma_wait3A_135] : memref<1000000x64xf32, #tpu.memory_space<hbm>> -> memref<200x64xf32, #tpu.memory_space<hbm>>
      %dma_wait3A_137 = arith.constant 0 : i32
      %dma_wait3A_138 = arith.constant 0 : i32
      %dma_wait3A_139 = tpu.memref_slice %arg9[%dma_wait3A, %dma_wait3A_137, %dma_wait3A_138] : memref<4x200x64xf32, #tpu.memory_space<vmem>> -> memref<1x200x64xf32, #tpu.memory_space<vmem>>
      %dma_wait3A_140 = tpu.memref_squeeze %dma_wait3A_139 : memref<1x200x64xf32, #tpu.memory_space<vmem>> -> memref<200x64xf32, #tpu.memory_space<vmem>>
      %dma_wait3A_141 = arith.constant 0 : i32
      %dma_wait3A_142 = arith.constant 0 : i32
      %dma_wait3A_143 = tpu.memref_slice %arg4[%dma_wait3A_141, %dma_wait3A_142] : memref<1000000x64xf32, #tpu.memory_space<hbm>> -> memref<200x64xf32, #tpu.memory_space<hbm>>
      tpu.wait_dma2 semaphore(%arg10 : memref<!tpu.dma_semaphore, #tpu.memory_space<semaphore_mem>>) src(%dma_wait3A_143 : memref<200x64xf32, #tpu.memory_space<hbm>>) dst(%dma_wait3A_140 : memref<200x64xf32, #tpu.memory_space<vmem>>)
      %add3A_144 = arith.constant 4 : i32
      %add3A_145 = arith.addi %add3A_129, %add3A_144 : i32
      %sub3A = arith.constant 1 : i32
      %sub3A_146 = arith.subi %add3A_145, %sub3A : i32
      %lt3A = arith.constant 128 : i32
      %lt3A_147 = arith.cmpi slt, %sub3A_146, %lt3A : i32
      %convert_element_type3A = arith.extui %lt3A_147 : i1 to i32
      %cond3A = arith.constant 0 : i32
      %cond3A_148 = arith.cmpi ne, %convert_element_type3A, %cond3A : i32
      scf.if %cond3A_148 {
        %add3A_575 = arith.constant 4 : i32
        %add3A_576 = arith.addi %add3A_129, %add3A_575 : i32
        %sub3A_577 = arith.constant 1 : i32
        %sub3A_578 = arith.subi %add3A_576, %sub3A_577 : i32
        %dma_start3A_579 = arith.constant 0 : i32
        %dma_start3A_580 = arith.constant 3 : i32
        %dma_start3A_581 = arith.constant 0 : i32
        %dma_start3A_582 = arith.constant 0 : i32
        %dma_start3A_583 = tpu.memref_slice %arg9[%dma_start3A_580, %dma_start3A_581, %dma_start3A_582] : memref<4x200x64xf32, #tpu.memory_space<vmem>> -> memref<1x100x64xf32, #tpu.memory_space<vmem>>
        %dma_start3A_584 = tpu.memref_squeeze %dma_start3A_583 : memref<1x100x64xf32, #tpu.memory_space<vmem>> -> memref<100x64xf32, #tpu.memory_space<vmem>>
        %dma_start3A_585 = arith.constant 0 : i32
        %dma_start3A_586 = tpu.memref_slice %arg6[%sub3A_578, %dma_start3A_579, %dma_start3A_585] : memref<128x2x100xi32, #tpu.memory_space<vmem>> -> memref<1x1x100xi32, #tpu.memory_space<vmem>>
        %dma_start3A_587 = tpu.memref_squeeze %dma_start3A_586 : memref<1x1x100xi32, #tpu.memory_space<vmem>> -> memref<100xi32, #tpu.memory_space<vmem>>
        %dma_start3A_588 = arith.constant 0 : i32
        %dma_start3A_589 = arith.constant 0 : i32
        %dma_start3A_590 = tpu.memref_slice %arg4[%dma_start3A_588, %dma_start3A_589] : memref<1000000x64xf32, #tpu.memory_space<hbm>> -> memref<1000000x64xf32, #tpu.memory_space<hbm>>
        tpu.enqueue_indirect_dma source(%dma_start3A_590 : memref<1000000x64xf32, #tpu.memory_space<hbm>>) target(%dma_start3A_584 : memref<100x64xf32, #tpu.memory_space<vmem>>) offsets(%dma_start3A_587 : memref<100xi32, #tpu.memory_space<vmem>>) semaphore(%arg13 : memref<!tpu.dma_semaphore, #tpu.memory_space<semaphore_mem>>)
        %dma_start3A_591 = arith.constant 1 : i32
        %dma_start3A_592 = arith.constant 3 : i32
        %dma_start3A_593 = arith.constant 100 : i32
        %dma_start3A_594 = arith.constant 0 : i32
        %dma_start3A_595 = tpu.memref_slice %arg9[%dma_start3A_592, %dma_start3A_593, %dma_start3A_594] : memref<4x200x64xf32, #tpu.memory_space<vmem>> -> memref<1x100x64xf32, #tpu.memory_space<vmem>>
        %dma_start3A_596 = tpu.memref_squeeze %dma_start3A_595 : memref<1x100x64xf32, #tpu.memory_space<vmem>> -> memref<100x64xf32, #tpu.memory_space<vmem>>
        %dma_start3A_597 = arith.constant 0 : i32
        %dma_start3A_598 = tpu.memref_slice %arg6[%sub3A_578, %dma_start3A_591, %dma_start3A_597] : memref<128x2x100xi32, #tpu.memory_space<vmem>> -> memref<1x1x100xi32, #tpu.memory_space<vmem>>
        %dma_start3A_599 = tpu.memref_squeeze %dma_start3A_598 : memref<1x1x100xi32, #tpu.memory_space<vmem>> -> memref<100xi32, #tpu.memory_space<vmem>>
        %dma_start3A_600 = arith.constant 0 : i32
        %dma_start3A_601 = arith.constant 0 : i32
        %dma_start3A_602 = tpu.memref_slice %arg4[%dma_start3A_600, %dma_start3A_601] : memref<1000000x64xf32, #tpu.memory_space<hbm>> -> memref<1000000x64xf32, #tpu.memory_space<hbm>>
        tpu.enqueue_indirect_dma source(%dma_start3A_602 : memref<1000000x64xf32, #tpu.memory_space<hbm>>) target(%dma_start3A_596 : memref<100x64xf32, #tpu.memory_space<vmem>>) offsets(%dma_start3A_599 : memref<100xi32, #tpu.memory_space<vmem>>) semaphore(%arg13 : memref<!tpu.dma_semaphore, #tpu.memory_space<semaphore_mem>>)
      } else {
      }
      %broadcast_in_dim3A = arith.constant 0.000000e+00 : f32
      %broadcast_in_dim3A_149 = vector.broadcast %broadcast_in_dim3A : f32 to vector<16xf32>
      %scan3A_150 = arith.constant 0 : i32
      %scan3A_151 = arith.constant 64 : i32
      %scan3A_152 = arith.addi %scan3A_150, %scan3A_151 : i32
      %scan3A_153 = arith.constant 1 : i32
      %scan3A_154:13 = scf.for %scan3A_575 = %scan3A_150 to %scan3A_152 step %scan3A_153 iter_args(%scan3A_576 = %broadcast_in_dim3A_149, %scan3A_577 = %broadcast_in_dim3A_149, %scan3A_578 = %broadcast_in_dim3A_149, %scan3A_579 = %broadcast_in_dim3A_149, %scan3A_580 = %broadcast_in_dim3A_149, %scan3A_581 = %broadcast_in_dim3A_149, %scan3A_582 = %broadcast_in_dim3A_149, %scan3A_583 = %broadcast_in_dim3A_149, %scan3A_584 = %broadcast_in_dim3A_149, %scan3A_585 = %broadcast_in_dim3A_149, %scan3A_586 = %broadcast_in_dim3A_149, %scan3A_587 = %broadcast_in_dim3A_149, %scan3A_588 = %broadcast_in_dim3A_149) -> (vector<16xf32>, vector<16xf32>, vector<16xf32>, vector<16xf32>, vector<16xf32>, vector<16xf32>, vector<16xf32>, vector<16xf32>, vector<16xf32>, vector<16xf32>, vector<16xf32>, vector<16xf32>, vector<16xf32>)  : i32 {
        %mul3A_589 = arith.constant 1 : i32
        %mul3A_590 = arith.muli %scan3A_575, %mul3A_589 : i32
        %add3A_591 = arith.constant 0 : i32
        %add3A_592 = arith.addi %add3A_591, %mul3A_590 : i32
        %add3A_593 = vector.broadcast %add3A_592 : i32 to vector<16xi32>
        %add3A_594 = arith.addi %iota3A, %add3A_593 : vector<16xi32>
        %ge3A = arith.constant 64 : i32
        %ge3A_595 = vector.broadcast %ge3A : i32 to vector<16xi32>
        %ge3A_596 = arith.cmpi sge, %add3A_594, %ge3A_595 : vector<16xi32>
        %sub3A_597 = arith.constant 64 : i32
        %sub3A_598 = vector.broadcast %sub3A_597 : i32 to vector<16xi32>
        %sub3A_599 = arith.subi %add3A_594, %sub3A_598 : vector<16xi32>
        %select_n3A = arith.select %ge3A_596, %sub3A_599, %add3A_594 : vector<16xi1>, vector<16xi32>
        %get3A = arith.index_cast %add3A_129 : i32 to index
        %get3A_600 = arith.index_cast %add3A_592 : i32 to index
        %get3A_601 = tpu.vector_load %arg7[%get3A, %get3A_600] {strides = array<i32>} : memref<128x80xf32, #tpu.memory_space<vmem>>, vector<16xf32>,
        %gather3A = arith.constant 0 : i32
        %gather3A_602 = arith.constant 0 : i32
        %gather3A_603 = arith.constant 0 : i32
        %gather3A_604 = tpu.memref_slice %arg9[%gather3A, %gather3A_602, %gather3A_603] : memref<4x200x64xf32, #tpu.memory_space<vmem>> -> memref<1x200x64xf32, #tpu.memory_space<vmem>>
        %gather3A_605 = tpu.memref_squeeze %gather3A_604 : memref<1x200x64xf32, #tpu.memory_space<vmem>> -> memref<200x64xf32, #tpu.memory_space<vmem>>
        %gather3A_606 = tpu.vector_load_idx %gather3A_605[%add3A_3, %select_n3A] : memref<200x64xf32, #tpu.memory_space<vmem>>[vector<16xi32>, vector<16xi32>], vector<16xf32>,
        %mul3A_607 = arith.mulf %gather3A_606, %get3A_601 : vector<16xf32>
        %add3A_608 = arith.addf %scan3A_576, %mul3A_607 : vector<16xf32>
        %gather3A_609 = arith.constant 0 : i32
        %gather3A_610 = arith.constant 0 : i32
        %gather3A_611 = arith.constant 0 : i32
        %gather3A_612 = tpu.memref_slice %arg9[%gather3A_609, %gather3A_610, %gather3A_611] : memref<4x200x64xf32, #tpu.memory_space<vmem>> -> memref<1x200x64xf32, #tpu.memory_space<vmem>>
        %gather3A_613 = tpu.memref_squeeze %gather3A_612 : memref<1x200x64xf32, #tpu.memory_space<vmem>> -> memref<200x64xf32, #tpu.memory_space<vmem>>
        %gather3A_614 = tpu.vector_load_idx %gather3A_613[%add3A_6, %select_n3A] : memref<200x64xf32, #tpu.memory_space<vmem>>[vector<16xi32>, vector<16xi32>], vector<16xf32>,
        %mul3A_615 = arith.mulf %gather3A_614, %get3A_601 : vector<16xf32>
        %add3A_616 = arith.addf %scan3A_577, %mul3A_615 : vector<16xf32>
        %gather3A_617 = arith.constant 0 : i32
        %gather3A_618 = arith.constant 0 : i32
        %gather3A_619 = arith.constant 0 : i32
        %gather3A_620 = tpu.memref_slice %arg9[%gather3A_617, %gather3A_618, %gather3A_619] : memref<4x200x64xf32, #tpu.memory_space<vmem>> -> memref<1x200x64xf32, #tpu.memory_space<vmem>>
        %gather3A_621 = tpu.memref_squeeze %gather3A_620 : memref<1x200x64xf32, #tpu.memory_space<vmem>> -> memref<200x64xf32, #tpu.memory_space<vmem>>
        %gather3A_622 = tpu.vector_load_idx %gather3A_621[%add3A_9, %select_n3A] : memref<200x64xf32, #tpu.memory_space<vmem>>[vector<16xi32>, vector<16xi32>], vector<16xf32>,
        %mul3A_623 = arith.mulf %gather3A_622, %get3A_601 : vector<16xf32>
        %add3A_624 = arith.addf %scan3A_578, %mul3A_623 : vector<16xf32>
        %gather3A_625 = arith.constant 0 : i32
        %gather3A_626 = arith.constant 0 : i32
        %gather3A_627 = arith.constant 0 : i32
        %gather3A_628 = tpu.memref_slice %arg9[%gather3A_625, %gather3A_626, %gather3A_627] : memref<4x200x64xf32, #tpu.memory_space<vmem>> -> memref<1x200x64xf32, #tpu.memory_space<vmem>>
        %gather3A_629 = tpu.memref_squeeze %gather3A_628 : memref<1x200x64xf32, #tpu.memory_space<vmem>> -> memref<200x64xf32, #tpu.memory_space<vmem>>
        %gather3A_630 = tpu.vector_load_idx %gather3A_629[%add3A_12, %select_n3A] : memref<200x64xf32, #tpu.memory_space<vmem>>[vector<16xi32>, vector<16xi32>], vector<16xf32>,
        %mul3A_631 = arith.mulf %gather3A_630, %get3A_601 : vector<16xf32>
        %add3A_632 = arith.addf %scan3A_579, %mul3A_631 : vector<16xf32>
        %gather3A_633 = arith.constant 0 : i32
        %gather3A_634 = arith.constant 0 : i32
        %gather3A_635 = arith.constant 0 : i32
        %gather3A_636 = tpu.memref_slice %arg9[%gather3A_633, %gather3A_634, %gather3A_635] : memref<4x200x64xf32, #tpu.memory_space<vmem>> -> memref<1x200x64xf32, #tpu.memory_space<vmem>>
        %gather3A_637 = tpu.memref_squeeze %gather3A_636 : memref<1x200x64xf32, #tpu.memory_space<vmem>> -> memref<200x64xf32, #tpu.memory_space<vmem>>
        %gather3A_638 = tpu.vector_load_idx %gather3A_637[%add3A_15, %select_n3A] : memref<200x64xf32, #tpu.memory_space<vmem>>[vector<16xi32>, vector<16xi32>], vector<16xf32>,
        %mul3A_639 = arith.mulf %gather3A_638, %get3A_601 : vector<16xf32>
        %add3A_640 = arith.addf %scan3A_580, %mul3A_639 : vector<16xf32>
        %gather3A_641 = arith.constant 0 : i32
        %gather3A_642 = arith.constant 0 : i32
        %gather3A_643 = arith.constant 0 : i32
        %gather3A_644 = tpu.memref_slice %arg9[%gather3A_641, %gather3A_642, %gather3A_643] : memref<4x200x64xf32, #tpu.memory_space<vmem>> -> memref<1x200x64xf32, #tpu.memory_space<vmem>>
        %gather3A_645 = tpu.memref_squeeze %gather3A_644 : memref<1x200x64xf32, #tpu.memory_space<vmem>> -> memref<200x64xf32, #tpu.memory_space<vmem>>
        %gather3A_646 = tpu.vector_load_idx %gather3A_645[%add3A_18, %select_n3A] : memref<200x64xf32, #tpu.memory_space<vmem>>[vector<16xi32>, vector<16xi32>], vector<16xf32>,
        %mul3A_647 = arith.mulf %gather3A_646, %get3A_601 : vector<16xf32>
        %add3A_648 = arith.addf %scan3A_581, %mul3A_647 : vector<16xf32>
        %gather3A_649 = arith.constant 0 : i32
        %gather3A_650 = arith.constant 0 : i32
        %gather3A_651 = arith.constant 0 : i32
        %gather3A_652 = tpu.memref_slice %arg9[%gather3A_649, %gather3A_650, %gather3A_651] : memref<4x200x64xf32, #tpu.memory_space<vmem>> -> memref<1x200x64xf32, #tpu.memory_space<vmem>>
        %gather3A_653 = tpu.memref_squeeze %gather3A_652 : memref<1x200x64xf32, #tpu.memory_space<vmem>> -> memref<200x64xf32, #tpu.memory_space<vmem>>
        %gather3A_654 = tpu.vector_load_idx %gather3A_653[%add3A_21, %select_n3A] : memref<200x64xf32, #tpu.memory_space<vmem>>[vector<16xi32>, vector<16xi32>], vector<16xf32>,
        %mul3A_655 = arith.mulf %gather3A_654, %get3A_601 : vector<16xf32>
        %add3A_656 = arith.addf %scan3A_582, %mul3A_655 : vector<16xf32>
        %gather3A_657 = arith.constant 0 : i32
        %gather3A_658 = arith.constant 0 : i32
        %gather3A_659 = arith.constant 0 : i32
        %gather3A_660 = tpu.memref_slice %arg9[%gather3A_657, %gather3A_658, %gather3A_659] : memref<4x200x64xf32, #tpu.memory_space<vmem>> -> memref<1x200x64xf32, #tpu.memory_space<vmem>>
        %gather3A_661 = tpu.memref_squeeze %gather3A_660 : memref<1x200x64xf32, #tpu.memory_space<vmem>> -> memref<200x64xf32, #tpu.memory_space<vmem>>
        %gather3A_662 = tpu.vector_load_idx %gather3A_661[%add3A_24, %select_n3A] : memref<200x64xf32, #tpu.memory_space<vmem>>[vector<16xi32>, vector<16xi32>], vector<16xf32>,
        %mul3A_663 = arith.mulf %gather3A_662, %get3A_601 : vector<16xf32>
        %add3A_664 = arith.addf %scan3A_583, %mul3A_663 : vector<16xf32>
        %gather3A_665 = arith.constant 0 : i32
        %gather3A_666 = arith.constant 0 : i32
        %gather3A_667 = arith.constant 0 : i32
        %gather3A_668 = tpu.memref_slice %arg9[%gather3A_665, %gather3A_666, %gather3A_667] : memref<4x200x64xf32, #tpu.memory_space<vmem>> -> memref<1x200x64xf32, #tpu.memory_space<vmem>>
        %gather3A_669 = tpu.memref_squeeze %gather3A_668 : memref<1x200x64xf32, #tpu.memory_space<vmem>> -> memref<200x64xf32, #tpu.memory_space<vmem>>
        %gather3A_670 = tpu.vector_load_idx %gather3A_669[%add3A_27, %select_n3A] : memref<200x64xf32, #tpu.memory_space<vmem>>[vector<16xi32>, vector<16xi32>], vector<16xf32>,
        %mul3A_671 = arith.mulf %gather3A_670, %get3A_601 : vector<16xf32>
        %add3A_672 = arith.addf %scan3A_584, %mul3A_671 : vector<16xf32>
        %gather3A_673 = arith.constant 0 : i32
        %gather3A_674 = arith.constant 0 : i32
        %gather3A_675 = arith.constant 0 : i32
        %gather3A_676 = tpu.memref_slice %arg9[%gather3A_673, %gather3A_674, %gather3A_675] : memref<4x200x64xf32, #tpu.memory_space<vmem>> -> memref<1x200x64xf32, #tpu.memory_space<vmem>>
        %gather3A_677 = tpu.memref_squeeze %gather3A_676 : memref<1x200x64xf32, #tpu.memory_space<vmem>> -> memref<200x64xf32, #tpu.memory_space<vmem>>
        %gather3A_678 = tpu.vector_load_idx %gather3A_677[%add3A_30, %select_n3A] : memref<200x64xf32, #tpu.memory_space<vmem>>[vector<16xi32>, vector<16xi32>], vector<16xf32>,
        %mul3A_679 = arith.mulf %gather3A_678, %get3A_601 : vector<16xf32>
        %add3A_680 = arith.addf %scan3A_585, %mul3A_679 : vector<16xf32>
        %gather3A_681 = arith.constant 0 : i32
        %gather3A_682 = arith.constant 0 : i32
        %gather3A_683 = arith.constant 0 : i32
        %gather3A_684 = tpu.memref_slice %arg9[%gather3A_681, %gather3A_682, %gather3A_683] : memref<4x200x64xf32, #tpu.memory_space<vmem>> -> memref<1x200x64xf32, #tpu.memory_space<vmem>>
        %gather3A_685 = tpu.memref_squeeze %gather3A_684 : memref<1x200x64xf32, #tpu.memory_space<vmem>> -> memref<200x64xf32, #tpu.memory_space<vmem>>
        %gather3A_686 = tpu.vector_load_idx %gather3A_685[%add3A_33, %select_n3A] : memref<200x64xf32, #tpu.memory_space<vmem>>[vector<16xi32>, vector<16xi32>], vector<16xf32>,
        %mul3A_687 = arith.mulf %gather3A_686, %get3A_601 : vector<16xf32>
        %add3A_688 = arith.addf %scan3A_586, %mul3A_687 : vector<16xf32>
        %gather3A_689 = arith.constant 0 : i32
        %gather3A_690 = arith.constant 0 : i32
        %gather3A_691 = arith.constant 0 : i32
        %gather3A_692 = tpu.memref_slice %arg9[%gather3A_689, %gather3A_690, %gather3A_691] : memref<4x200x64xf32, #tpu.memory_space<vmem>> -> memref<1x200x64xf32, #tpu.memory_space<vmem>>
        %gather3A_693 = tpu.memref_squeeze %gather3A_692 : memref<1x200x64xf32, #tpu.memory_space<vmem>> -> memref<200x64xf32, #tpu.memory_space<vmem>>
        %gather3A_694 = tpu.vector_load_idx %gather3A_693[%add3A_36, %select_n3A] : memref<200x64xf32, #tpu.memory_space<vmem>>[vector<16xi32>, vector<16xi32>], vector<16xf32>,
        %mul3A_695 = arith.mulf %gather3A_694, %get3A_601 : vector<16xf32>
        %add3A_696 = arith.addf %scan3A_587, %mul3A_695 : vector<16xf32>
        %gather3A_697 = arith.constant 0 : i32
        %gather3A_698 = arith.constant 0 : i32
        %gather3A_699 = arith.constant 0 : i32
        %gather3A_700 = tpu.memref_slice %arg9[%gather3A_697, %gather3A_698, %gather3A_699] : memref<4x200x64xf32, #tpu.memory_space<vmem>> -> memref<1x200x64xf32, #tpu.memory_space<vmem>>
        %gather3A_701 = tpu.memref_squeeze %gather3A_700 : memref<1x200x64xf32, #tpu.memory_space<vmem>> -> memref<200x64xf32, #tpu.memory_space<vmem>>
        %gather3A_702 = tpu.vector_load_idx %gather3A_701[%add3A_39, %select_n3A] : memref<200x64xf32, #tpu.memory_space<vmem>>[vector<16xi32>, vector<16xi32>], vector<16xf32>,
        %mul3A_703 = arith.mulf %gather3A_702, %get3A_601 : vector<16xf32>
        %add3A_704 = arith.addf %scan3A_588, %mul3A_703 : vector<16xf32>
        scf.yield %add3A_608, %add3A_616, %add3A_624, %add3A_632, %add3A_640, %add3A_648, %add3A_656, %add3A_664, %add3A_672, %add3A_680, %add3A_688, %add3A_696, %add3A_704 : vector<16xf32>, vector<16xf32>, vector<16xf32>, vector<16xf32>, vector<16xf32>, vector<16xf32>, vector<16xf32>, vector<16xf32>, vector<16xf32>, vector<16xf32>, vector<16xf32>, vector<16xf32>, vector<16xf32>
      }
      %scan3A_155 = arith.constant 64 : i32
      %mul3A_156 = arith.constant 200 : i32
      %mul3A_157 = arith.muli %add3A_129, %mul3A_156 : i32
      %add3A_158 = arith.constant 0 : i32
      %add3A_159 = arith.addi %mul3A_157, %add3A_158 : i32
      %swap3A = arith.index_cast %add3A_159 : i32 to index
      %swap3A_160 = tpu.vector_load %arg8[%swap3A] {strides = array<i32>} : memref<25600xf32, #tpu.memory_space<vmem>>, vector<16xf32>,
      tpu.vector_store %arg8[%swap3A], %scan3A_154#0 {strides = array<i32>} : memref<25600xf32, #tpu.memory_space<vmem>>, vector<16xf32>,
      %mul3A_161 = arith.constant 200 : i32
      %mul3A_162 = arith.muli %add3A_129, %mul3A_161 : i32
      %add3A_163 = arith.constant 16 : i32
      %add3A_164 = arith.addi %mul3A_162, %add3A_163 : i32
      %swap3A_165 = arith.index_cast %add3A_164 : i32 to index
      %swap3A_166 = tpu.vector_load %arg8[%swap3A_165] {strides = array<i32>} : memref<25600xf32, #tpu.memory_space<vmem>>, vector<16xf32>,
      tpu.vector_store %arg8[%swap3A_165], %scan3A_154#1 {strides = array<i32>} : memref<25600xf32, #tpu.memory_space<vmem>>, vector<16xf32>,
      %mul3A_167 = arith.constant 200 : i32
      %mul3A_168 = arith.muli %add3A_129, %mul3A_167 : i32
      %add3A_169 = arith.constant 32 : i32
      %add3A_170 = arith.addi %mul3A_168, %add3A_169 : i32
      %swap3A_171 = arith.index_cast %add3A_170 : i32 to index
      %swap3A_172 = tpu.vector_load %arg8[%swap3A_171] {strides = array<i32>} : memref<25600xf32, #tpu.memory_space<vmem>>, vector<16xf32>,
      tpu.vector_store %arg8[%swap3A_171], %scan3A_154#2 {strides = array<i32>} : memref<25600xf32, #tpu.memory_space<vmem>>, vector<16xf32>,
      %mul3A_173 = arith.constant 200 : i32
      %mul3A_174 = arith.muli %add3A_129, %mul3A_173 : i32
      %add3A_175 = arith.constant 48 : i32
      %add3A_176 = arith.addi %mul3A_174, %add3A_175 : i32
      %swap3A_177 = arith.index_cast %add3A_176 : i32 to index
      %swap3A_178 = tpu.vector_load %arg8[%swap3A_177] {strides = array<i32>} : memref<25600xf32, #tpu.memory_space<vmem>>, vector<16xf32>,
      tpu.vector_store %arg8[%swap3A_177], %scan3A_154#3 {strides = array<i32>} : memref<25600xf32, #tpu.memory_space<vmem>>, vector<16xf32>,
      %mul3A_179 = arith.constant 200 : i32
      %mul3A_180 = arith.muli %add3A_129, %mul3A_179 : i32
      %add3A_181 = arith.constant 64 : i32
      %add3A_182 = arith.addi %mul3A_180, %add3A_181 : i32
      %swap3A_183 = arith.index_cast %add3A_182 : i32 to index
      %swap3A_184 = tpu.vector_load %arg8[%swap3A_183] {strides = array<i32>} : memref<25600xf32, #tpu.memory_space<vmem>>, vector<16xf32>,
      tpu.vector_store %arg8[%swap3A_183], %scan3A_154#4 {strides = array<i32>} : memref<25600xf32, #tpu.memory_space<vmem>>, vector<16xf32>,
      %mul3A_185 = arith.constant 200 : i32
      %mul3A_186 = arith.muli %add3A_129, %mul3A_185 : i32
      %add3A_187 = arith.constant 80 : i32
      %add3A_188 = arith.addi %mul3A_186, %add3A_187 : i32
      %swap3A_189 = arith.index_cast %add3A_188 : i32 to index
      %swap3A_190 = tpu.vector_load %arg8[%swap3A_189] {strides = array<i32>} : memref<25600xf32, #tpu.memory_space<vmem>>, vector<16xf32>,
      tpu.vector_store %arg8[%swap3A_189], %scan3A_154#5 {strides = array<i32>} : memref<25600xf32, #tpu.memory_space<vmem>>, vector<16xf32>,
      %mul3A_191 = arith.constant 200 : i32
      %mul3A_192 = arith.muli %add3A_129, %mul3A_191 : i32
      %add3A_193 = arith.constant 96 : i32
      %add3A_194 = arith.addi %mul3A_192, %add3A_193 : i32
      %swap3A_195 = arith.index_cast %add3A_194 : i32 to index
      %swap3A_196 = tpu.vector_load %arg8[%swap3A_195] {strides = array<i32>} : memref<25600xf32, #tpu.memory_space<vmem>>, vector<16xf32>,
      tpu.vector_store %arg8[%swap3A_195], %scan3A_154#6 {strides = array<i32>} : memref<25600xf32, #tpu.memory_space<vmem>>, vector<16xf32>,
      %mul3A_197 = arith.constant 200 : i32
      %mul3A_198 = arith.muli %add3A_129, %mul3A_197 : i32
      %add3A_199 = arith.constant 112 : i32
      %add3A_200 = arith.addi %mul3A_198, %add3A_199 : i32
      %swap3A_201 = arith.index_cast %add3A_200 : i32 to index
      %swap3A_202 = tpu.vector_load %arg8[%swap3A_201] {strides = array<i32>} : memref<25600xf32, #tpu.memory_space<vmem>>, vector<16xf32>,
      tpu.vector_store %arg8[%swap3A_201], %scan3A_154#7 {strides = array<i32>} : memref<25600xf32, #tpu.memory_space<vmem>>, vector<16xf32>,
      %mul3A_203 = arith.constant 200 : i32
      %mul3A_204 = arith.muli %add3A_129, %mul3A_203 : i32
      %add3A_205 = arith.constant 128 : i32
      %add3A_206 = arith.addi %mul3A_204, %add3A_205 : i32
      %swap3A_207 = arith.index_cast %add3A_206 : i32 to index
      %swap3A_208 = tpu.vector_load %arg8[%swap3A_207] {strides = array<i32>} : memref<25600xf32, #tpu.memory_space<vmem>>, vector<16xf32>,
      tpu.vector_store %arg8[%swap3A_207], %scan3A_154#8 {strides = array<i32>} : memref<25600xf32, #tpu.memory_space<vmem>>, vector<16xf32>,
      %mul3A_209 = arith.constant 200 : i32
      %mul3A_210 = arith.muli %add3A_129, %mul3A_209 : i32
      %add3A_211 = arith.constant 144 : i32
      %add3A_212 = arith.addi %mul3A_210, %add3A_211 : i32
      %swap3A_213 = arith.index_cast %add3A_212 : i32 to index
      %swap3A_214 = tpu.vector_load %arg8[%swap3A_213] {strides = array<i32>} : memref<25600xf32, #tpu.memory_space<vmem>>, vector<16xf32>,
      tpu.vector_store %arg8[%swap3A_213], %scan3A_154#9 {strides = array<i32>} : memref<25600xf32, #tpu.memory_space<vmem>>, vector<16xf32>,
      %mul3A_215 = arith.constant 200 : i32
      %mul3A_216 = arith.muli %add3A_129, %mul3A_215 : i32
      %add3A_217 = arith.constant 160 : i32
      %add3A_218 = arith.addi %mul3A_216, %add3A_217 : i32
      %swap3A_219 = arith.index_cast %add3A_218 : i32 to index
      %swap3A_220 = tpu.vector_load %arg8[%swap3A_219] {strides = array<i32>} : memref<25600xf32, #tpu.memory_space<vmem>>, vector<16xf32>,
      tpu.vector_store %arg8[%swap3A_219], %scan3A_154#10 {strides = array<i32>} : memref<25600xf32, #tpu.memory_space<vmem>>, vector<16xf32>,
      %mul3A_221 = arith.constant 200 : i32
      %mul3A_222 = arith.muli %add3A_129, %mul3A_221 : i32
      %add3A_223 = arith.constant 176 : i32
      %add3A_224 = arith.addi %mul3A_222, %add3A_223 : i32
      %swap3A_225 = arith.index_cast %add3A_224 : i32 to index
      %swap3A_226 = tpu.vector_load %arg8[%swap3A_225] {strides = array<i32>} : memref<25600xf32, #tpu.memory_space<vmem>>, vector<16xf32>,
      tpu.vector_store %arg8[%swap3A_225], %scan3A_154#11 {strides = array<i32>} : memref<25600xf32, #tpu.memory_space<vmem>>, vector<16xf32>,
      %mul3A_227 = arith.constant 200 : i32
      %mul3A_228 = arith.muli %add3A_129, %mul3A_227 : i32
      %add3A_229 = arith.constant 184 : i32
      %add3A_230 = arith.addi %mul3A_228, %add3A_229 : i32
      %swap3A_231 = arith.index_cast %add3A_230 : i32 to index
      %swap3A_232 = tpu.vector_load %arg8[%swap3A_231] {strides = array<i32>} : memref<25600xf32, #tpu.memory_space<vmem>>, vector<16xf32>,
      tpu.vector_store %arg8[%swap3A_231], %scan3A_154#12 {strides = array<i32>} : memref<25600xf32, #tpu.memory_space<vmem>>, vector<16xf32>,
      %mul3A_233 = arith.constant 4 : i32
      %mul3A_234 = arith.muli %add3A_125, %mul3A_233 : i32
      %add3A_235 = arith.constant 1 : i32
      %add3A_236 = arith.addi %mul3A_234, %add3A_235 : i32
      %dma_wait3A_237 = arith.constant 1 : i32
      %dma_wait3A_238 = arith.constant 0 : i32
      %dma_wait3A_239 = arith.constant 0 : i32
      %dma_wait3A_240 = tpu.memref_slice %arg9[%dma_wait3A_237, %dma_wait3A_238, %dma_wait3A_239] : memref<4x200x64xf32, #tpu.memory_space<vmem>> -> memref<1x200x64xf32, #tpu.memory_space<vmem>>
      %dma_wait3A_241 = tpu.memref_squeeze %dma_wait3A_240 : memref<1x200x64xf32, #tpu.memory_space<vmem>> -> memref<200x64xf32, #tpu.memory_space<vmem>>
      %dma_wait3A_242 = arith.constant 0 : i32
      %dma_wait3A_243 = arith.constant 0 : i32
      %dma_wait3A_244 = tpu.memref_slice %arg4[%dma_wait3A_242, %dma_wait3A_243] : memref<1000000x64xf32, #tpu.memory_space<hbm>> -> memref<200x64xf32, #tpu.memory_space<hbm>>
      %dma_wait3A_245 = arith.constant 0 : i32
      %dma_wait3A_246 = arith.constant 0 : i32
      %dma_wait3A_247 = tpu.memref_slice %arg9[%dma_wait3A_237, %dma_wait3A_245, %dma_wait3A_246] : memref<4x200x64xf32, #tpu.memory_space<vmem>> -> memref<1x200x64xf32, #tpu.memory_space<vmem>>
      %dma_wait3A_248 = tpu.memref_squeeze %dma_wait3A_247 : memref<1x200x64xf32, #tpu.memory_space<vmem>> -> memref<200x64xf32, #tpu.memory_space<vmem>>
      %dma_wait3A_249 = arith.constant 0 : i32
      %dma_wait3A_250 = arith.constant 0 : i32
      %dma_wait3A_251 = tpu.memref_slice %arg4[%dma_wait3A_249, %dma_wait3A_250] : memref<1000000x64xf32, #tpu.memory_space<hbm>> -> memref<200x64xf32, #tpu.memory_space<hbm>>
      tpu.wait_dma2 semaphore(%arg11 : memref<!tpu.dma_semaphore, #tpu.memory_space<semaphore_mem>>) src(%dma_wait3A_251 : memref<200x64xf32, #tpu.memory_space<hbm>>) dst(%dma_wait3A_248 : memref<200x64xf32, #tpu.memory_space<vmem>>)
      %add3A_252 = arith.constant 4 : i32
      %add3A_253 = arith.addi %add3A_236, %add3A_252 : i32
      %sub3A_254 = arith.constant 1 : i32
      %sub3A_255 = arith.subi %add3A_253, %sub3A_254 : i32
      %lt3A_256 = arith.constant 128 : i32
      %lt3A_257 = arith.cmpi slt, %sub3A_255, %lt3A_256 : i32
      %convert_element_type3A_258 = arith.extui %lt3A_257 : i1 to i32
      %cond3A_259 = arith.constant 0 : i32
      %cond3A_260 = arith.cmpi ne, %convert_element_type3A_258, %cond3A_259 : i32
      scf.if %cond3A_260 {
        %add3A_575 = arith.constant 4 : i32
        %add3A_576 = arith.addi %add3A_236, %add3A_575 : i32
        %sub3A_577 = arith.constant 1 : i32
        %sub3A_578 = arith.subi %add3A_576, %sub3A_577 : i32
        %dma_start3A_579 = arith.constant 0 : i32
        %dma_start3A_580 = arith.constant 0 : i32
        %dma_start3A_581 = arith.constant 0 : i32
        %dma_start3A_582 = arith.constant 0 : i32
        %dma_start3A_583 = tpu.memref_slice %arg9[%dma_start3A_580, %dma_start3A_581, %dma_start3A_582] : memref<4x200x64xf32, #tpu.memory_space<vmem>> -> memref<1x100x64xf32, #tpu.memory_space<vmem>>
        %dma_start3A_584 = tpu.memref_squeeze %dma_start3A_583 : memref<1x100x64xf32, #tpu.memory_space<vmem>> -> memref<100x64xf32, #tpu.memory_space<vmem>>
        %dma_start3A_585 = arith.constant 0 : i32
        %dma_start3A_586 = tpu.memref_slice %arg6[%sub3A_578, %dma_start3A_579, %dma_start3A_585] : memref<128x2x100xi32, #tpu.memory_space<vmem>> -> memref<1x1x100xi32, #tpu.memory_space<vmem>>
        %dma_start3A_587 = tpu.memref_squeeze %dma_start3A_586 : memref<1x1x100xi32, #tpu.memory_space<vmem>> -> memref<100xi32, #tpu.memory_space<vmem>>
        %dma_start3A_588 = arith.constant 0 : i32
        %dma_start3A_589 = arith.constant 0 : i32
        %dma_start3A_590 = tpu.memref_slice %arg4[%dma_start3A_588, %dma_start3A_589] : memref<1000000x64xf32, #tpu.memory_space<hbm>> -> memref<1000000x64xf32, #tpu.memory_space<hbm>>
        tpu.enqueue_indirect_dma source(%dma_start3A_590 : memref<1000000x64xf32, #tpu.memory_space<hbm>>) target(%dma_start3A_584 : memref<100x64xf32, #tpu.memory_space<vmem>>) offsets(%dma_start3A_587 : memref<100xi32, #tpu.memory_space<vmem>>) semaphore(%arg10 : memref<!tpu.dma_semaphore, #tpu.memory_space<semaphore_mem>>)
        %dma_start3A_591 = arith.constant 1 : i32
        %dma_start3A_592 = arith.constant 0 : i32
        %dma_start3A_593 = arith.constant 100 : i32
        %dma_start3A_594 = arith.constant 0 : i32
        %dma_start3A_595 = tpu.memref_slice %arg9[%dma_start3A_592, %dma_start3A_593, %dma_start3A_594] : memref<4x200x64xf32, #tpu.memory_space<vmem>> -> memref<1x100x64xf32, #tpu.memory_space<vmem>>
        %dma_start3A_596 = tpu.memref_squeeze %dma_start3A_595 : memref<1x100x64xf32, #tpu.memory_space<vmem>> -> memref<100x64xf32, #tpu.memory_space<vmem>>
        %dma_start3A_597 = arith.constant 0 : i32
        %dma_start3A_598 = tpu.memref_slice %arg6[%sub3A_578, %dma_start3A_591, %dma_start3A_597] : memref<128x2x100xi32, #tpu.memory_space<vmem>> -> memref<1x1x100xi32, #tpu.memory_space<vmem>>
        %dma_start3A_599 = tpu.memref_squeeze %dma_start3A_598 : memref<1x1x100xi32, #tpu.memory_space<vmem>> -> memref<100xi32, #tpu.memory_space<vmem>>
        %dma_start3A_600 = arith.constant 0 : i32
        %dma_start3A_601 = arith.constant 0 : i32
        %dma_start3A_602 = tpu.memref_slice %arg4[%dma_start3A_600, %dma_start3A_601] : memref<1000000x64xf32, #tpu.memory_space<hbm>> -> memref<1000000x64xf32, #tpu.memory_space<hbm>>
        tpu.enqueue_indirect_dma source(%dma_start3A_602 : memref<1000000x64xf32, #tpu.memory_space<hbm>>) target(%dma_start3A_596 : memref<100x64xf32, #tpu.memory_space<vmem>>) offsets(%dma_start3A_599 : memref<100xi32, #tpu.memory_space<vmem>>) semaphore(%arg10 : memref<!tpu.dma_semaphore, #tpu.memory_space<semaphore_mem>>)
      } else {
      }
      %broadcast_in_dim3A_261 = arith.constant 0.000000e+00 : f32
      %broadcast_in_dim3A_262 = vector.broadcast %broadcast_in_dim3A_261 : f32 to vector<16xf32>
      %scan3A_263 = arith.constant 0 : i32
      %scan3A_264 = arith.constant 64 : i32
      %scan3A_265 = arith.addi %scan3A_263, %scan3A_264 : i32
      %scan3A_266 = arith.constant 1 : i32
      %scan3A_267:13 = scf.for %scan3A_575 = %scan3A_263 to %scan3A_265 step %scan3A_266 iter_args(%scan3A_576 = %broadcast_in_dim3A_262, %scan3A_577 = %broadcast_in_dim3A_262, %scan3A_578 = %broadcast_in_dim3A_262, %scan3A_579 = %broadcast_in_dim3A_262, %scan3A_580 = %broadcast_in_dim3A_262, %scan3A_581 = %broadcast_in_dim3A_262, %scan3A_582 = %broadcast_in_dim3A_262, %scan3A_583 = %broadcast_in_dim3A_262, %scan3A_584 = %broadcast_in_dim3A_262, %scan3A_585 = %broadcast_in_dim3A_262, %scan3A_586 = %broadcast_in_dim3A_262, %scan3A_587 = %broadcast_in_dim3A_262, %scan3A_588 = %broadcast_in_dim3A_262) -> (vector<16xf32>, vector<16xf32>, vector<16xf32>, vector<16xf32>, vector<16xf32>, vector<16xf32>, vector<16xf32>, vector<16xf32>, vector<16xf32>, vector<16xf32>, vector<16xf32>, vector<16xf32>, vector<16xf32>)  : i32 {
        %mul3A_589 = arith.constant 1 : i32
        %mul3A_590 = arith.muli %scan3A_575, %mul3A_589 : i32
        %add3A_591 = arith.constant 0 : i32
        %add3A_592 = arith.addi %add3A_591, %mul3A_590 : i32
        %add3A_593 = vector.broadcast %add3A_592 : i32 to vector<16xi32>
        %add3A_594 = arith.addi %iota3A, %add3A_593 : vector<16xi32>
        %ge3A = arith.constant 64 : i32
        %ge3A_595 = vector.broadcast %ge3A : i32 to vector<16xi32>
        %ge3A_596 = arith.cmpi sge, %add3A_594, %ge3A_595 : vector<16xi32>
        %sub3A_597 = arith.constant 64 : i32
        %sub3A_598 = vector.broadcast %sub3A_597 : i32 to vector<16xi32>
        %sub3A_599 = arith.subi %add3A_594, %sub3A_598 : vector<16xi32>
        %select_n3A = arith.select %ge3A_596, %sub3A_599, %add3A_594 : vector<16xi1>, vector<16xi32>
        %get3A = arith.index_cast %add3A_236 : i32 to index
        %get3A_600 = arith.index_cast %add3A_592 : i32 to index
        %get3A_601 = tpu.vector_load %arg7[%get3A, %get3A_600] {strides = array<i32>} : memref<128x80xf32, #tpu.memory_space<vmem>>, vector<16xf32>,
        %gather3A = arith.constant 1 : i32
        %gather3A_602 = arith.constant 0 : i32
        %gather3A_603 = arith.constant 0 : i32
        %gather3A_604 = tpu.memref_slice %arg9[%gather3A, %gather3A_602, %gather3A_603] : memref<4x200x64xf32, #tpu.memory_space<vmem>> -> memref<1x200x64xf32, #tpu.memory_space<vmem>>
        %gather3A_605 = tpu.memref_squeeze %gather3A_604 : memref<1x200x64xf32, #tpu.memory_space<vmem>> -> memref<200x64xf32, #tpu.memory_space<vmem>>
        %gather3A_606 = tpu.vector_load_idx %gather3A_605[%add3A_3, %select_n3A] : memref<200x64xf32, #tpu.memory_space<vmem>>[vector<16xi32>, vector<16xi32>], vector<16xf32>,
        %mul3A_607 = arith.mulf %gather3A_606, %get3A_601 : vector<16xf32>
        %add3A_608 = arith.addf %scan3A_576, %mul3A_607 : vector<16xf32>
        %gather3A_609 = arith.constant 1 : i32
        %gather3A_610 = arith.constant 0 : i32
        %gather3A_611 = arith.constant 0 : i32
        %gather3A_612 = tpu.memref_slice %arg9[%gather3A_609, %gather3A_610, %gather3A_611] : memref<4x200x64xf32, #tpu.memory_space<vmem>> -> memref<1x200x64xf32, #tpu.memory_space<vmem>>
        %gather3A_613 = tpu.memref_squeeze %gather3A_612 : memref<1x200x64xf32, #tpu.memory_space<vmem>> -> memref<200x64xf32, #tpu.memory_space<vmem>>
        %gather3A_614 = tpu.vector_load_idx %gather3A_613[%add3A_6, %select_n3A] : memref<200x64xf32, #tpu.memory_space<vmem>>[vector<16xi32>, vector<16xi32>], vector<16xf32>,
        %mul3A_615 = arith.mulf %gather3A_614, %get3A_601 : vector<16xf32>
        %add3A_616 = arith.addf %scan3A_577, %mul3A_615 : vector<16xf32>
        %gather3A_617 = arith.constant 1 : i32
        %gather3A_618 = arith.constant 0 : i32
        %gather3A_619 = arith.constant 0 : i32
        %gather3A_620 = tpu.memref_slice %arg9[%gather3A_617, %gather3A_618, %gather3A_619] : memref<4x200x64xf32, #tpu.memory_space<vmem>> -> memref<1x200x64xf32, #tpu.memory_space<vmem>>
        %gather3A_621 = tpu.memref_squeeze %gather3A_620 : memref<1x200x64xf32, #tpu.memory_space<vmem>> -> memref<200x64xf32, #tpu.memory_space<vmem>>
        %gather3A_622 = tpu.vector_load_idx %gather3A_621[%add3A_9, %select_n3A] : memref<200x64xf32, #tpu.memory_space<vmem>>[vector<16xi32>, vector<16xi32>], vector<16xf32>,
        %mul3A_623 = arith.mulf %gather3A_622, %get3A_601 : vector<16xf32>
        %add3A_624 = arith.addf %scan3A_578, %mul3A_623 : vector<16xf32>
        %gather3A_625 = arith.constant 1 : i32
        %gather3A_626 = arith.constant 0 : i32
        %gather3A_627 = arith.constant 0 : i32
        %gather3A_628 = tpu.memref_slice %arg9[%gather3A_625, %gather3A_626, %gather3A_627] : memref<4x200x64xf32, #tpu.memory_space<vmem>> -> memref<1x200x64xf32, #tpu.memory_space<vmem>>
        %gather3A_629 = tpu.memref_squeeze %gather3A_628 : memref<1x200x64xf32, #tpu.memory_space<vmem>> -> memref<200x64xf32, #tpu.memory_space<vmem>>
        %gather3A_630 = tpu.vector_load_idx %gather3A_629[%add3A_12, %select_n3A] : memref<200x64xf32, #tpu.memory_space<vmem>>[vector<16xi32>, vector<16xi32>], vector<16xf32>,
        %mul3A_631 = arith.mulf %gather3A_630, %get3A_601 : vector<16xf32>
        %add3A_632 = arith.addf %scan3A_579, %mul3A_631 : vector<16xf32>
        %gather3A_633 = arith.constant 1 : i32
        %gather3A_634 = arith.constant 0 : i32
        %gather3A_635 = arith.constant 0 : i32
        %gather3A_636 = tpu.memref_slice %arg9[%gather3A_633, %gather3A_634, %gather3A_635] : memref<4x200x64xf32, #tpu.memory_space<vmem>> -> memref<1x200x64xf32, #tpu.memory_space<vmem>>
        %gather3A_637 = tpu.memref_squeeze %gather3A_636 : memref<1x200x64xf32, #tpu.memory_space<vmem>> -> memref<200x64xf32, #tpu.memory_space<vmem>>
        %gather3A_638 = tpu.vector_load_idx %gather3A_637[%add3A_15, %select_n3A] : memref<200x64xf32, #tpu.memory_space<vmem>>[vector<16xi32>, vector<16xi32>], vector<16xf32>,
        %mul3A_639 = arith.mulf %gather3A_638, %get3A_601 : vector<16xf32>
        %add3A_640 = arith.addf %scan3A_580, %mul3A_639 : vector<16xf32>
        %gather3A_641 = arith.constant 1 : i32
        %gather3A_642 = arith.constant 0 : i32
        %gather3A_643 = arith.constant 0 : i32
        %gather3A_644 = tpu.memref_slice %arg9[%gather3A_641, %gather3A_642, %gather3A_643] : memref<4x200x64xf32, #tpu.memory_space<vmem>> -> memref<1x200x64xf32, #tpu.memory_space<vmem>>
        %gather3A_645 = tpu.memref_squeeze %gather3A_644 : memref<1x200x64xf32, #tpu.memory_space<vmem>> -> memref<200x64xf32, #tpu.memory_space<vmem>>
        %gather3A_646 = tpu.vector_load_idx %gather3A_645[%add3A_18, %select_n3A] : memref<200x64xf32, #tpu.memory_space<vmem>>[vector<16xi32>, vector<16xi32>], vector<16xf32>,
        %mul3A_647 = arith.mulf %gather3A_646, %get3A_601 : vector<16xf32>
        %add3A_648 = arith.addf %scan3A_581, %mul3A_647 : vector<16xf32>
        %gather3A_649 = arith.constant 1 : i32
        %gather3A_650 = arith.constant 0 : i32
        %gather3A_651 = arith.constant 0 : i32
        %gather3A_652 = tpu.memref_slice %arg9[%gather3A_649, %gather3A_650, %gather3A_651] : memref<4x200x64xf32, #tpu.memory_space<vmem>> -> memref<1x200x64xf32, #tpu.memory_space<vmem>>
        %gather3A_653 = tpu.memref_squeeze %gather3A_652 : memref<1x200x64xf32, #tpu.memory_space<vmem>> -> memref<200x64xf32, #tpu.memory_space<vmem>>
        %gather3A_654 = tpu.vector_load_idx %gather3A_653[%add3A_21, %select_n3A] : memref<200x64xf32, #tpu.memory_space<vmem>>[vector<16xi32>, vector<16xi32>], vector<16xf32>,
        %mul3A_655 = arith.mulf %gather3A_654, %get3A_601 : vector<16xf32>
        %add3A_656 = arith.addf %scan3A_582, %mul3A_655 : vector<16xf32>
        %gather3A_657 = arith.constant 1 : i32
        %gather3A_658 = arith.constant 0 : i32
        %gather3A_659 = arith.constant 0 : i32
        %gather3A_660 = tpu.memref_slice %arg9[%gather3A_657, %gather3A_658, %gather3A_659] : memref<4x200x64xf32, #tpu.memory_space<vmem>> -> memref<1x200x64xf32, #tpu.memory_space<vmem>>
        %gather3A_661 = tpu.memref_squeeze %gather3A_660 : memref<1x200x64xf32, #tpu.memory_space<vmem>> -> memref<200x64xf32, #tpu.memory_space<vmem>>
        %gather3A_662 = tpu.vector_load_idx %gather3A_661[%add3A_24, %select_n3A] : memref<200x64xf32, #tpu.memory_space<vmem>>[vector<16xi32>, vector<16xi32>], vector<16xf32>,
        %mul3A_663 = arith.mulf %gather3A_662, %get3A_601 : vector<16xf32>
        %add3A_664 = arith.addf %scan3A_583, %mul3A_663 : vector<16xf32>
        %gather3A_665 = arith.constant 1 : i32
        %gather3A_666 = arith.constant 0 : i32
        %gather3A_667 = arith.constant 0 : i32
        %gather3A_668 = tpu.memref_slice %arg9[%gather3A_665, %gather3A_666, %gather3A_667] : memref<4x200x64xf32, #tpu.memory_space<vmem>> -> memref<1x200x64xf32, #tpu.memory_space<vmem>>
        %gather3A_669 = tpu.memref_squeeze %gather3A_668 : memref<1x200x64xf32, #tpu.memory_space<vmem>> -> memref<200x64xf32, #tpu.memory_space<vmem>>
        %gather3A_670 = tpu.vector_load_idx %gather3A_669[%add3A_27, %select_n3A] : memref<200x64xf32, #tpu.memory_space<vmem>>[vector<16xi32>, vector<16xi32>], vector<16xf32>,
        %mul3A_671 = arith.mulf %gather3A_670, %get3A_601 : vector<16xf32>
        %add3A_672 = arith.addf %scan3A_584, %mul3A_671 : vector<16xf32>
        %gather3A_673 = arith.constant 1 : i32
        %gather3A_674 = arith.constant 0 : i32
        %gather3A_675 = arith.constant 0 : i32
        %gather3A_676 = tpu.memref_slice %arg9[%gather3A_673, %gather3A_674, %gather3A_675] : memref<4x200x64xf32, #tpu.memory_space<vmem>> -> memref<1x200x64xf32, #tpu.memory_space<vmem>>
        %gather3A_677 = tpu.memref_squeeze %gather3A_676 : memref<1x200x64xf32, #tpu.memory_space<vmem>> -> memref<200x64xf32, #tpu.memory_space<vmem>>
        %gather3A_678 = tpu.vector_load_idx %gather3A_677[%add3A_30, %select_n3A] : memref<200x64xf32, #tpu.memory_space<vmem>>[vector<16xi32>, vector<16xi32>], vector<16xf32>,
        %mul3A_679 = arith.mulf %gather3A_678, %get3A_601 : vector<16xf32>
        %add3A_680 = arith.addf %scan3A_585, %mul3A_679 : vector<16xf32>
        %gather3A_681 = arith.constant 1 : i32
        %gather3A_682 = arith.constant 0 : i32
        %gather3A_683 = arith.constant 0 : i32
        %gather3A_684 = tpu.memref_slice %arg9[%gather3A_681, %gather3A_682, %gather3A_683] : memref<4x200x64xf32, #tpu.memory_space<vmem>> -> memref<1x200x64xf32, #tpu.memory_space<vmem>>
        %gather3A_685 = tpu.memref_squeeze %gather3A_684 : memref<1x200x64xf32, #tpu.memory_space<vmem>> -> memref<200x64xf32, #tpu.memory_space<vmem>>
        %gather3A_686 = tpu.vector_load_idx %gather3A_685[%add3A_33, %select_n3A] : memref<200x64xf32, #tpu.memory_space<vmem>>[vector<16xi32>, vector<16xi32>], vector<16xf32>,
        %mul3A_687 = arith.mulf %gather3A_686, %get3A_601 : vector<16xf32>
        %add3A_688 = arith.addf %scan3A_586, %mul3A_687 : vector<16xf32>
        %gather3A_689 = arith.constant 1 : i32
        %gather3A_690 = arith.constant 0 : i32
        %gather3A_691 = arith.constant 0 : i32
        %gather3A_692 = tpu.memref_slice %arg9[%gather3A_689, %gather3A_690, %gather3A_691] : memref<4x200x64xf32, #tpu.memory_space<vmem>> -> memref<1x200x64xf32, #tpu.memory_space<vmem>>
        %gather3A_693 = tpu.memref_squeeze %gather3A_692 : memref<1x200x64xf32, #tpu.memory_space<vmem>> -> memref<200x64xf32, #tpu.memory_space<vmem>>
        %gather3A_694 = tpu.vector_load_idx %gather3A_693[%add3A_36, %select_n3A] : memref<200x64xf32, #tpu.memory_space<vmem>>[vector<16xi32>, vector<16xi32>], vector<16xf32>,
        %mul3A_695 = arith.mulf %gather3A_694, %get3A_601 : vector<16xf32>
        %add3A_696 = arith.addf %scan3A_587, %mul3A_695 : vector<16xf32>
        %gather3A_697 = arith.constant 1 : i32
        %gather3A_698 = arith.constant 0 : i32
        %gather3A_699 = arith.constant 0 : i32
        %gather3A_700 = tpu.memref_slice %arg9[%gather3A_697, %gather3A_698, %gather3A_699] : memref<4x200x64xf32, #tpu.memory_space<vmem>> -> memref<1x200x64xf32, #tpu.memory_space<vmem>>
        %gather3A_701 = tpu.memref_squeeze %gather3A_700 : memref<1x200x64xf32, #tpu.memory_space<vmem>> -> memref<200x64xf32, #tpu.memory_space<vmem>>
        %gather3A_702 = tpu.vector_load_idx %gather3A_701[%add3A_39, %select_n3A] : memref<200x64xf32, #tpu.memory_space<vmem>>[vector<16xi32>, vector<16xi32>], vector<16xf32>,
        %mul3A_703 = arith.mulf %gather3A_702, %get3A_601 : vector<16xf32>
        %add3A_704 = arith.addf %scan3A_588, %mul3A_703 : vector<16xf32>
        scf.yield %add3A_608, %add3A_616, %add3A_624, %add3A_632, %add3A_640, %add3A_648, %add3A_656, %add3A_664, %add3A_672, %add3A_680, %add3A_688, %add3A_696, %add3A_704 : vector<16xf32>, vector<16xf32>, vector<16xf32>, vector<16xf32>, vector<16xf32>, vector<16xf32>, vector<16xf32>, vector<16xf32>, vector<16xf32>, vector<16xf32>, vector<16xf32>, vector<16xf32>, vector<16xf32>
      }
      %scan3A_268 = arith.constant 64 : i32
      %mul3A_269 = arith.constant 200 : i32
      %mul3A_270 = arith.muli %add3A_236, %mul3A_269 : i32
      %add3A_271 = arith.constant 0 : i32
      %add3A_272 = arith.addi %mul3A_270, %add3A_271 : i32
      %swap3A_273 = arith.index_cast %add3A_272 : i32 to index
      %swap3A_274 = tpu.vector_load %arg8[%swap3A_273] {strides = array<i32>} : memref<25600xf32, #tpu.memory_space<vmem>>, vector<16xf32>,
      tpu.vector_store %arg8[%swap3A_273], %scan3A_267#0 {strides = array<i32>} : memref<25600xf32, #tpu.memory_space<vmem>>, vector<16xf32>,
      %mul3A_275 = arith.constant 200 : i32
      %mul3A_276 = arith.muli %add3A_236, %mul3A_275 : i32
      %add3A_277 = arith.constant 16 : i32
      %add3A_278 = arith.addi %mul3A_276, %add3A_277 : i32
      %swap3A_279 = arith.index_cast %add3A_278 : i32 to index
      %swap3A_280 = tpu.vector_load %arg8[%swap3A_279] {strides = array<i32>} : memref<25600xf32, #tpu.memory_space<vmem>>, vector<16xf32>,
      tpu.vector_store %arg8[%swap3A_279], %scan3A_267#1 {strides = array<i32>} : memref<25600xf32, #tpu.memory_space<vmem>>, vector<16xf32>,
      %mul3A_281 = arith.constant 200 : i32
      %mul3A_282 = arith.muli %add3A_236, %mul3A_281 : i32
      %add3A_283 = arith.constant 32 : i32
      %add3A_284 = arith.addi %mul3A_282, %add3A_283 : i32
      %swap3A_285 = arith.index_cast %add3A_284 : i32 to index
      %swap3A_286 = tpu.vector_load %arg8[%swap3A_285] {strides = array<i32>} : memref<25600xf32, #tpu.memory_space<vmem>>, vector<16xf32>,
      tpu.vector_store %arg8[%swap3A_285], %scan3A_267#2 {strides = array<i32>} : memref<25600xf32, #tpu.memory_space<vmem>>, vector<16xf32>,
      %mul3A_287 = arith.constant 200 : i32
      %mul3A_288 = arith.muli %add3A_236, %mul3A_287 : i32
      %add3A_289 = arith.constant 48 : i32
      %add3A_290 = arith.addi %mul3A_288, %add3A_289 : i32
      %swap3A_291 = arith.index_cast %add3A_290 : i32 to index
      %swap3A_292 = tpu.vector_load %arg8[%swap3A_291] {strides = array<i32>} : memref<25600xf32, #tpu.memory_space<vmem>>, vector<16xf32>,
      tpu.vector_store %arg8[%swap3A_291], %scan3A_267#3 {strides = array<i32>} : memref<25600xf32, #tpu.memory_space<vmem>>, vector<16xf32>,
      %mul3A_293 = arith.constant 200 : i32
      %mul3A_294 = arith.muli %add3A_236, %mul3A_293 : i32
      %add3A_295 = arith.constant 64 : i32
      %add3A_296 = arith.addi %mul3A_294, %add3A_295 : i32
      %swap3A_297 = arith.index_cast %add3A_296 : i32 to index
      %swap3A_298 = tpu.vector_load %arg8[%swap3A_297] {strides = array<i32>} : memref<25600xf32, #tpu.memory_space<vmem>>, vector<16xf32>,
      tpu.vector_store %arg8[%swap3A_297], %scan3A_267#4 {strides = array<i32>} : memref<25600xf32, #tpu.memory_space<vmem>>, vector<16xf32>,
      %mul3A_299 = arith.constant 200 : i32
      %mul3A_300 = arith.muli %add3A_236, %mul3A_299 : i32
      %add3A_301 = arith.constant 80 : i32
      %add3A_302 = arith.addi %mul3A_300, %add3A_301 : i32
      %swap3A_303 = arith.index_cast %add3A_302 : i32 to index
      %swap3A_304 = tpu.vector_load %arg8[%swap3A_303] {strides = array<i32>} : memref<25600xf32, #tpu.memory_space<vmem>>, vector<16xf32>,
      tpu.vector_store %arg8[%swap3A_303], %scan3A_267#5 {strides = array<i32>} : memref<25600xf32, #tpu.memory_space<vmem>>, vector<16xf32>,
      %mul3A_305 = arith.constant 200 : i32
      %mul3A_306 = arith.muli %add3A_236, %mul3A_305 : i32
      %add3A_307 = arith.constant 96 : i32
      %add3A_308 = arith.addi %mul3A_306, %add3A_307 : i32
      %swap3A_309 = arith.index_cast %add3A_308 : i32 to index
      %swap3A_310 = tpu.vector_load %arg8[%swap3A_309] {strides = array<i32>} : memref<25600xf32, #tpu.memory_space<vmem>>, vector<16xf32>,
      tpu.vector_store %arg8[%swap3A_309], %scan3A_267#6 {strides = array<i32>} : memref<25600xf32, #tpu.memory_space<vmem>>, vector<16xf32>,
      %mul3A_311 = arith.constant 200 : i32
      %mul3A_312 = arith.muli %add3A_236, %mul3A_311 : i32
      %add3A_313 = arith.constant 112 : i32
      %add3A_314 = arith.addi %mul3A_312, %add3A_313 : i32
      %swap3A_315 = arith.index_cast %add3A_314 : i32 to index
      %swap3A_316 = tpu.vector_load %arg8[%swap3A_315] {strides = array<i32>} : memref<25600xf32, #tpu.memory_space<vmem>>, vector<16xf32>,
      tpu.vector_store %arg8[%swap3A_315], %scan3A_267#7 {strides = array<i32>} : memref<25600xf32, #tpu.memory_space<vmem>>, vector<16xf32>,
      %mul3A_317 = arith.constant 200 : i32
      %mul3A_318 = arith.muli %add3A_236, %mul3A_317 : i32
      %add3A_319 = arith.constant 128 : i32
      %add3A_320 = arith.addi %mul3A_318, %add3A_319 : i32
      %swap3A_321 = arith.index_cast %add3A_320 : i32 to index
      %swap3A_322 = tpu.vector_load %arg8[%swap3A_321] {strides = array<i32>} : memref<25600xf32, #tpu.memory_space<vmem>>, vector<16xf32>,
      tpu.vector_store %arg8[%swap3A_321], %scan3A_267#8 {strides = array<i32>} : memref<25600xf32, #tpu.memory_space<vmem>>, vector<16xf32>,
      %mul3A_323 = arith.constant 200 : i32
      %mul3A_324 = arith.muli %add3A_236, %mul3A_323 : i32
      %add3A_325 = arith.constant 144 : i32
      %add3A_326 = arith.addi %mul3A_324, %add3A_325 : i32
      %swap3A_327 = arith.index_cast %add3A_326 : i32 to index
      %swap3A_328 = tpu.vector_load %arg8[%swap3A_327] {strides = array<i32>} : memref<25600xf32, #tpu.memory_space<vmem>>, vector<16xf32>,
      tpu.vector_store %arg8[%swap3A_327], %scan3A_267#9 {strides = array<i32>} : memref<25600xf32, #tpu.memory_space<vmem>>, vector<16xf32>,
      %mul3A_329 = arith.constant 200 : i32
      %mul3A_330 = arith.muli %add3A_236, %mul3A_329 : i32
      %add3A_331 = arith.constant 160 : i32
      %add3A_332 = arith.addi %mul3A_330, %add3A_331 : i32
      %swap3A_333 = arith.index_cast %add3A_332 : i32 to index
      %swap3A_334 = tpu.vector_load %arg8[%swap3A_333] {strides = array<i32>} : memref<25600xf32, #tpu.memory_space<vmem>>, vector<16xf32>,
      tpu.vector_store %arg8[%swap3A_333], %scan3A_267#10 {strides = array<i32>} : memref<25600xf32, #tpu.memory_space<vmem>>, vector<16xf32>,
      %mul3A_335 = arith.constant 200 : i32
      %mul3A_336 = arith.muli %add3A_236, %mul3A_335 : i32
      %add3A_337 = arith.constant 176 : i32
      %add3A_338 = arith.addi %mul3A_336, %add3A_337 : i32
      %swap3A_339 = arith.index_cast %add3A_338 : i32 to index
      %swap3A_340 = tpu.vector_load %arg8[%swap3A_339] {strides = array<i32>} : memref<25600xf32, #tpu.memory_space<vmem>>, vector<16xf32>,
      tpu.vector_store %arg8[%swap3A_339], %scan3A_267#11 {strides = array<i32>} : memref<25600xf32, #tpu.memory_space<vmem>>, vector<16xf32>,
      %mul3A_341 = arith.constant 200 : i32
      %mul3A_342 = arith.muli %add3A_236, %mul3A_341 : i32
      %add3A_343 = arith.constant 184 : i32
      %add3A_344 = arith.addi %mul3A_342, %add3A_343 : i32
      %swap3A_345 = arith.index_cast %add3A_344 : i32 to index
      %swap3A_346 = tpu.vector_load %arg8[%swap3A_345] {strides = array<i32>} : memref<25600xf32, #tpu.memory_space<vmem>>, vector<16xf32>,
      tpu.vector_store %arg8[%swap3A_345], %scan3A_267#12 {strides = array<i32>} : memref<25600xf32, #tpu.memory_space<vmem>>, vector<16xf32>,
      %mul3A_347 = arith.constant 4 : i32
      %mul3A_348 = arith.muli %add3A_125, %mul3A_347 : i32
      %add3A_349 = arith.constant 2 : i32
      %add3A_350 = arith.addi %mul3A_348, %add3A_349 : i32
      %dma_wait3A_351 = arith.constant 2 : i32
      %dma_wait3A_352 = arith.constant 0 : i32
      %dma_wait3A_353 = arith.constant 0 : i32
      %dma_wait3A_354 = tpu.memref_slice %arg9[%dma_wait3A_351, %dma_wait3A_352, %dma_wait3A_353] : memref<4x200x64xf32, #tpu.memory_space<vmem>> -> memref<1x200x64xf32, #tpu.memory_space<vmem>>
      %dma_wait3A_355 = tpu.memref_squeeze %dma_wait3A_354 : memref<1x200x64xf32, #tpu.memory_space<vmem>> -> memref<200x64xf32, #tpu.memory_space<vmem>>
      %dma_wait3A_356 = arith.constant 0 : i32
      %dma_wait3A_357 = arith.constant 0 : i32
      %dma_wait3A_358 = tpu.memref_slice %arg4[%dma_wait3A_356, %dma_wait3A_357] : memref<1000000x64xf32, #tpu.memory_space<hbm>> -> memref<200x64xf32, #tpu.memory_space<hbm>>
      %dma_wait3A_359 = arith.constant 0 : i32
      %dma_wait3A_360 = arith.constant 0 : i32
      %dma_wait3A_361 = tpu.memref_slice %arg9[%dma_wait3A_351, %dma_wait3A_359, %dma_wait3A_360] : memref<4x200x64xf32, #tpu.memory_space<vmem>> -> memref<1x200x64xf32, #tpu.memory_space<vmem>>
      %dma_wait3A_362 = tpu.memref_squeeze %dma_wait3A_361 : memref<1x200x64xf32, #tpu.memory_space<vmem>> -> memref<200x64xf32, #tpu.memory_space<vmem>>
      %dma_wait3A_363 = arith.constant 0 : i32
      %dma_wait3A_364 = arith.constant 0 : i32
      %dma_wait3A_365 = tpu.memref_slice %arg4[%dma_wait3A_363, %dma_wait3A_364] : memref<1000000x64xf32, #tpu.memory_space<hbm>> -> memref<200x64xf32, #tpu.memory_space<hbm>>
      tpu.wait_dma2 semaphore(%arg12 : memref<!tpu.dma_semaphore, #tpu.memory_space<semaphore_mem>>) src(%dma_wait3A_365 : memref<200x64xf32, #tpu.memory_space<hbm>>) dst(%dma_wait3A_362 : memref<200x64xf32, #tpu.memory_space<vmem>>)
      %add3A_366 = arith.constant 4 : i32
      %add3A_367 = arith.addi %add3A_350, %add3A_366 : i32
      %sub3A_368 = arith.constant 1 : i32
      %sub3A_369 = arith.subi %add3A_367, %sub3A_368 : i32
      %lt3A_370 = arith.constant 128 : i32
      %lt3A_371 = arith.cmpi slt, %sub3A_369, %lt3A_370 : i32
      %convert_element_type3A_372 = arith.extui %lt3A_371 : i1 to i32
      %cond3A_373 = arith.constant 0 : i32
      %cond3A_374 = arith.cmpi ne, %convert_element_type3A_372, %cond3A_373 : i32
      scf.if %cond3A_374 {
        %add3A_575 = arith.constant 4 : i32
        %add3A_576 = arith.addi %add3A_350, %add3A_575 : i32
        %sub3A_577 = arith.constant 1 : i32
        %sub3A_578 = arith.subi %add3A_576, %sub3A_577 : i32
        %dma_start3A_579 = arith.constant 0 : i32
        %dma_start3A_580 = arith.constant 1 : i32
        %dma_start3A_581 = arith.constant 0 : i32
        %dma_start3A_582 = arith.constant 0 : i32
        %dma_start3A_583 = tpu.memref_slice %arg9[%dma_start3A_580, %dma_start3A_581, %dma_start3A_582] : memref<4x200x64xf32, #tpu.memory_space<vmem>> -> memref<1x100x64xf32, #tpu.memory_space<vmem>>
        %dma_start3A_584 = tpu.memref_squeeze %dma_start3A_583 : memref<1x100x64xf32, #tpu.memory_space<vmem>> -> memref<100x64xf32, #tpu.memory_space<vmem>>
        %dma_start3A_585 = arith.constant 0 : i32
        %dma_start3A_586 = tpu.memref_slice %arg6[%sub3A_578, %dma_start3A_579, %dma_start3A_585] : memref<128x2x100xi32, #tpu.memory_space<vmem>> -> memref<1x1x100xi32, #tpu.memory_space<vmem>>
        %dma_start3A_587 = tpu.memref_squeeze %dma_start3A_586 : memref<1x1x100xi32, #tpu.memory_space<vmem>> -> memref<100xi32, #tpu.memory_space<vmem>>
        %dma_start3A_588 = arith.constant 0 : i32
        %dma_start3A_589 = arith.constant 0 : i32
        %dma_start3A_590 = tpu.memref_slice %arg4[%dma_start3A_588, %dma_start3A_589] : memref<1000000x64xf32, #tpu.memory_space<hbm>> -> memref<1000000x64xf32, #tpu.memory_space<hbm>>
        tpu.enqueue_indirect_dma source(%dma_start3A_590 : memref<1000000x64xf32, #tpu.memory_space<hbm>>) target(%dma_start3A_584 : memref<100x64xf32, #tpu.memory_space<vmem>>) offsets(%dma_start3A_587 : memref<100xi32, #tpu.memory_space<vmem>>) semaphore(%arg11 : memref<!tpu.dma_semaphore, #tpu.memory_space<semaphore_mem>>)
        %dma_start3A_591 = arith.constant 1 : i32
        %dma_start3A_592 = arith.constant 1 : i32
        %dma_start3A_593 = arith.constant 100 : i32
        %dma_start3A_594 = arith.constant 0 : i32
        %dma_start3A_595 = tpu.memref_slice %arg9[%dma_start3A_592, %dma_start3A_593, %dma_start3A_594] : memref<4x200x64xf32, #tpu.memory_space<vmem>> -> memref<1x100x64xf32, #tpu.memory_space<vmem>>
        %dma_start3A_596 = tpu.memref_squeeze %dma_start3A_595 : memref<1x100x64xf32, #tpu.memory_space<vmem>> -> memref<100x64xf32, #tpu.memory_space<vmem>>
        %dma_start3A_597 = arith.constant 0 : i32
        %dma_start3A_598 = tpu.memref_slice %arg6[%sub3A_578, %dma_start3A_591, %dma_start3A_597] : memref<128x2x100xi32, #tpu.memory_space<vmem>> -> memref<1x1x100xi32, #tpu.memory_space<vmem>>
        %dma_start3A_599 = tpu.memref_squeeze %dma_start3A_598 : memref<1x1x100xi32, #tpu.memory_space<vmem>> -> memref<100xi32, #tpu.memory_space<vmem>>
        %dma_start3A_600 = arith.constant 0 : i32
        %dma_start3A_601 = arith.constant 0 : i32
        %dma_start3A_602 = tpu.memref_slice %arg4[%dma_start3A_600, %dma_start3A_601] : memref<1000000x64xf32, #tpu.memory_space<hbm>> -> memref<1000000x64xf32, #tpu.memory_space<hbm>>
        tpu.enqueue_indirect_dma source(%dma_start3A_602 : memref<1000000x64xf32, #tpu.memory_space<hbm>>) target(%dma_start3A_596 : memref<100x64xf32, #tpu.memory_space<vmem>>) offsets(%dma_start3A_599 : memref<100xi32, #tpu.memory_space<vmem>>) semaphore(%arg11 : memref<!tpu.dma_semaphore, #tpu.memory_space<semaphore_mem>>)
      } else {
      }
      %broadcast_in_dim3A_375 = arith.constant 0.000000e+00 : f32
      %broadcast_in_dim3A_376 = vector.broadcast %broadcast_in_dim3A_375 : f32 to vector<16xf32>
      %scan3A_377 = arith.constant 0 : i32
      %scan3A_378 = arith.constant 64 : i32
      %scan3A_379 = arith.addi %scan3A_377, %scan3A_378 : i32
      %scan3A_380 = arith.constant 1 : i32
      %scan3A_381:13 = scf.for %scan3A_575 = %scan3A_377 to %scan3A_379 step %scan3A_380 iter_args(%scan3A_576 = %broadcast_in_dim3A_376, %scan3A_577 = %broadcast_in_dim3A_376, %scan3A_578 = %broadcast_in_dim3A_376, %scan3A_579 = %broadcast_in_dim3A_376, %scan3A_580 = %broadcast_in_dim3A_376, %scan3A_581 = %broadcast_in_dim3A_376, %scan3A_582 = %broadcast_in_dim3A_376, %scan3A_583 = %broadcast_in_dim3A_376, %scan3A_584 = %broadcast_in_dim3A_376, %scan3A_585 = %broadcast_in_dim3A_376, %scan3A_586 = %broadcast_in_dim3A_376, %scan3A_587 = %broadcast_in_dim3A_376, %scan3A_588 = %broadcast_in_dim3A_376) -> (vector<16xf32>, vector<16xf32>, vector<16xf32>, vector<16xf32>, vector<16xf32>, vector<16xf32>, vector<16xf32>, vector<16xf32>, vector<16xf32>, vector<16xf32>, vector<16xf32>, vector<16xf32>, vector<16xf32>)  : i32 {
        %mul3A_589 = arith.constant 1 : i32
        %mul3A_590 = arith.muli %scan3A_575, %mul3A_589 : i32
        %add3A_591 = arith.constant 0 : i32
        %add3A_592 = arith.addi %add3A_591, %mul3A_590 : i32
        %add3A_593 = vector.broadcast %add3A_592 : i32 to vector<16xi32>
        %add3A_594 = arith.addi %iota3A, %add3A_593 : vector<16xi32>
        %ge3A = arith.constant 64 : i32
        %ge3A_595 = vector.broadcast %ge3A : i32 to vector<16xi32>
        %ge3A_596 = arith.cmpi sge, %add3A_594, %ge3A_595 : vector<16xi32>
        %sub3A_597 = arith.constant 64 : i32
        %sub3A_598 = vector.broadcast %sub3A_597 : i32 to vector<16xi32>
        %sub3A_599 = arith.subi %add3A_594, %sub3A_598 : vector<16xi32>
        %select_n3A = arith.select %ge3A_596, %sub3A_599, %add3A_594 : vector<16xi1>, vector<16xi32>
        %get3A = arith.index_cast %add3A_350 : i32 to index
        %get3A_600 = arith.index_cast %add3A_592 : i32 to index
        %get3A_601 = tpu.vector_load %arg7[%get3A, %get3A_600] {strides = array<i32>} : memref<128x80xf32, #tpu.memory_space<vmem>>, vector<16xf32>,
        %gather3A = arith.constant 2 : i32
        %gather3A_602 = arith.constant 0 : i32
        %gather3A_603 = arith.constant 0 : i32
        %gather3A_604 = tpu.memref_slice %arg9[%gather3A, %gather3A_602, %gather3A_603] : memref<4x200x64xf32, #tpu.memory_space<vmem>> -> memref<1x200x64xf32, #tpu.memory_space<vmem>>
        %gather3A_605 = tpu.memref_squeeze %gather3A_604 : memref<1x200x64xf32, #tpu.memory_space<vmem>> -> memref<200x64xf32, #tpu.memory_space<vmem>>
        %gather3A_606 = tpu.vector_load_idx %gather3A_605[%add3A_3, %select_n3A] : memref<200x64xf32, #tpu.memory_space<vmem>>[vector<16xi32>, vector<16xi32>], vector<16xf32>,
        %mul3A_607 = arith.mulf %gather3A_606, %get3A_601 : vector<16xf32>
        %add3A_608 = arith.addf %scan3A_576, %mul3A_607 : vector<16xf32>
        %gather3A_609 = arith.constant 2 : i32
        %gather3A_610 = arith.constant 0 : i32
        %gather3A_611 = arith.constant 0 : i32
        %gather3A_612 = tpu.memref_slice %arg9[%gather3A_609, %gather3A_610, %gather3A_611] : memref<4x200x64xf32, #tpu.memory_space<vmem>> -> memref<1x200x64xf32, #tpu.memory_space<vmem>>
        %gather3A_613 = tpu.memref_squeeze %gather3A_612 : memref<1x200x64xf32, #tpu.memory_space<vmem>> -> memref<200x64xf32, #tpu.memory_space<vmem>>
        %gather3A_614 = tpu.vector_load_idx %gather3A_613[%add3A_6, %select_n3A] : memref<200x64xf32, #tpu.memory_space<vmem>>[vector<16xi32>, vector<16xi32>], vector<16xf32>,
        %mul3A_615 = arith.mulf %gather3A_614, %get3A_601 : vector<16xf32>
        %add3A_616 = arith.addf %scan3A_577, %mul3A_615 : vector<16xf32>
        %gather3A_617 = arith.constant 2 : i32
        %gather3A_618 = arith.constant 0 : i32
        %gather3A_619 = arith.constant 0 : i32
        %gather3A_620 = tpu.memref_slice %arg9[%gather3A_617, %gather3A_618, %gather3A_619] : memref<4x200x64xf32, #tpu.memory_space<vmem>> -> memref<1x200x64xf32, #tpu.memory_space<vmem>>
        %gather3A_621 = tpu.memref_squeeze %gather3A_620 : memref<1x200x64xf32, #tpu.memory_space<vmem>> -> memref<200x64xf32, #tpu.memory_space<vmem>>
        %gather3A_622 = tpu.vector_load_idx %gather3A_621[%add3A_9, %select_n3A] : memref<200x64xf32, #tpu.memory_space<vmem>>[vector<16xi32>, vector<16xi32>], vector<16xf32>,
        %mul3A_623 = arith.mulf %gather3A_622, %get3A_601 : vector<16xf32>
        %add3A_624 = arith.addf %scan3A_578, %mul3A_623 : vector<16xf32>
        %gather3A_625 = arith.constant 2 : i32
        %gather3A_626 = arith.constant 0 : i32
        %gather3A_627 = arith.constant 0 : i32
        %gather3A_628 = tpu.memref_slice %arg9[%gather3A_625, %gather3A_626, %gather3A_627] : memref<4x200x64xf32, #tpu.memory_space<vmem>> -> memref<1x200x64xf32, #tpu.memory_space<vmem>>
        %gather3A_629 = tpu.memref_squeeze %gather3A_628 : memref<1x200x64xf32, #tpu.memory_space<vmem>> -> memref<200x64xf32, #tpu.memory_space<vmem>>
        %gather3A_630 = tpu.vector_load_idx %gather3A_629[%add3A_12, %select_n3A] : memref<200x64xf32, #tpu.memory_space<vmem>>[vector<16xi32>, vector<16xi32>], vector<16xf32>,
        %mul3A_631 = arith.mulf %gather3A_630, %get3A_601 : vector<16xf32>
        %add3A_632 = arith.addf %scan3A_579, %mul3A_631 : vector<16xf32>
        %gather3A_633 = arith.constant 2 : i32
        %gather3A_634 = arith.constant 0 : i32
        %gather3A_635 = arith.constant 0 : i32
        %gather3A_636 = tpu.memref_slice %arg9[%gather3A_633, %gather3A_634, %gather3A_635] : memref<4x200x64xf32, #tpu.memory_space<vmem>> -> memref<1x200x64xf32, #tpu.memory_space<vmem>>
        %gather3A_637 = tpu.memref_squeeze %gather3A_636 : memref<1x200x64xf32, #tpu.memory_space<vmem>> -> memref<200x64xf32, #tpu.memory_space<vmem>>
        %gather3A_638 = tpu.vector_load_idx %gather3A_637[%add3A_15, %select_n3A] : memref<200x64xf32, #tpu.memory_space<vmem>>[vector<16xi32>, vector<16xi32>], vector<16xf32>,
        %mul3A_639 = arith.mulf %gather3A_638, %get3A_601 : vector<16xf32>
        %add3A_640 = arith.addf %scan3A_580, %mul3A_639 : vector<16xf32>
        %gather3A_641 = arith.constant 2 : i32
        %gather3A_642 = arith.constant 0 : i32
        %gather3A_643 = arith.constant 0 : i32
        %gather3A_644 = tpu.memref_slice %arg9[%gather3A_641, %gather3A_642, %gather3A_643] : memref<4x200x64xf32, #tpu.memory_space<vmem>> -> memref<1x200x64xf32, #tpu.memory_space<vmem>>
        %gather3A_645 = tpu.memref_squeeze %gather3A_644 : memref<1x200x64xf32, #tpu.memory_space<vmem>> -> memref<200x64xf32, #tpu.memory_space<vmem>>
        %gather3A_646 = tpu.vector_load_idx %gather3A_645[%add3A_18, %select_n3A] : memref<200x64xf32, #tpu.memory_space<vmem>>[vector<16xi32>, vector<16xi32>], vector<16xf32>,
        %mul3A_647 = arith.mulf %gather3A_646, %get3A_601 : vector<16xf32>
        %add3A_648 = arith.addf %scan3A_581, %mul3A_647 : vector<16xf32>
        %gather3A_649 = arith.constant 2 : i32
        %gather3A_650 = arith.constant 0 : i32
        %gather3A_651 = arith.constant 0 : i32
        %gather3A_652 = tpu.memref_slice %arg9[%gather3A_649, %gather3A_650, %gather3A_651] : memref<4x200x64xf32, #tpu.memory_space<vmem>> -> memref<1x200x64xf32, #tpu.memory_space<vmem>>
        %gather3A_653 = tpu.memref_squeeze %gather3A_652 : memref<1x200x64xf32, #tpu.memory_space<vmem>> -> memref<200x64xf32, #tpu.memory_space<vmem>>
        %gather3A_654 = tpu.vector_load_idx %gather3A_653[%add3A_21, %select_n3A] : memref<200x64xf32, #tpu.memory_space<vmem>>[vector<16xi32>, vector<16xi32>], vector<16xf32>,
        %mul3A_655 = arith.mulf %gather3A_654, %get3A_601 : vector<16xf32>
        %add3A_656 = arith.addf %scan3A_582, %mul3A_655 : vector<16xf32>
        %gather3A_657 = arith.constant 2 : i32
        %gather3A_658 = arith.constant 0 : i32
        %gather3A_659 = arith.constant 0 : i32
        %gather3A_660 = tpu.memref_slice %arg9[%gather3A_657, %gather3A_658, %gather3A_659] : memref<4x200x64xf32, #tpu.memory_space<vmem>> -> memref<1x200x64xf32, #tpu.memory_space<vmem>>
        %gather3A_661 = tpu.memref_squeeze %gather3A_660 : memref<1x200x64xf32, #tpu.memory_space<vmem>> -> memref<200x64xf32, #tpu.memory_space<vmem>>
        %gather3A_662 = tpu.vector_load_idx %gather3A_661[%add3A_24, %select_n3A] : memref<200x64xf32, #tpu.memory_space<vmem>>[vector<16xi32>, vector<16xi32>], vector<16xf32>,
        %mul3A_663 = arith.mulf %gather3A_662, %get3A_601 : vector<16xf32>
        %add3A_664 = arith.addf %scan3A_583, %mul3A_663 : vector<16xf32>
        %gather3A_665 = arith.constant 2 : i32
        %gather3A_666 = arith.constant 0 : i32
        %gather3A_667 = arith.constant 0 : i32
        %gather3A_668 = tpu.memref_slice %arg9[%gather3A_665, %gather3A_666, %gather3A_667] : memref<4x200x64xf32, #tpu.memory_space<vmem>> -> memref<1x200x64xf32, #tpu.memory_space<vmem>>
        %gather3A_669 = tpu.memref_squeeze %gather3A_668 : memref<1x200x64xf32, #tpu.memory_space<vmem>> -> memref<200x64xf32, #tpu.memory_space<vmem>>
        %gather3A_670 = tpu.vector_load_idx %gather3A_669[%add3A_27, %select_n3A] : memref<200x64xf32, #tpu.memory_space<vmem>>[vector<16xi32>, vector<16xi32>], vector<16xf32>,
        %mul3A_671 = arith.mulf %gather3A_670, %get3A_601 : vector<16xf32>
        %add3A_672 = arith.addf %scan3A_584, %mul3A_671 : vector<16xf32>
        %gather3A_673 = arith.constant 2 : i32
        %gather3A_674 = arith.constant 0 : i32
        %gather3A_675 = arith.constant 0 : i32
        %gather3A_676 = tpu.memref_slice %arg9[%gather3A_673, %gather3A_674, %gather3A_675] : memref<4x200x64xf32, #tpu.memory_space<vmem>> -> memref<1x200x64xf32, #tpu.memory_space<vmem>>
        %gather3A_677 = tpu.memref_squeeze %gather3A_676 : memref<1x200x64xf32, #tpu.memory_space<vmem>> -> memref<200x64xf32, #tpu.memory_space<vmem>>
        %gather3A_678 = tpu.vector_load_idx %gather3A_677[%add3A_30, %select_n3A] : memref<200x64xf32, #tpu.memory_space<vmem>>[vector<16xi32>, vector<16xi32>], vector<16xf32>,
        %mul3A_679 = arith.mulf %gather3A_678, %get3A_601 : vector<16xf32>
        %add3A_680 = arith.addf %scan3A_585, %mul3A_679 : vector<16xf32>
        %gather3A_681 = arith.constant 2 : i32
        %gather3A_682 = arith.constant 0 : i32
        %gather3A_683 = arith.constant 0 : i32
        %gather3A_684 = tpu.memref_slice %arg9[%gather3A_681, %gather3A_682, %gather3A_683] : memref<4x200x64xf32, #tpu.memory_space<vmem>> -> memref<1x200x64xf32, #tpu.memory_space<vmem>>
        %gather3A_685 = tpu.memref_squeeze %gather3A_684 : memref<1x200x64xf32, #tpu.memory_space<vmem>> -> memref<200x64xf32, #tpu.memory_space<vmem>>
        %gather3A_686 = tpu.vector_load_idx %gather3A_685[%add3A_33, %select_n3A] : memref<200x64xf32, #tpu.memory_space<vmem>>[vector<16xi32>, vector<16xi32>], vector<16xf32>,
        %mul3A_687 = arith.mulf %gather3A_686, %get3A_601 : vector<16xf32>
        %add3A_688 = arith.addf %scan3A_586, %mul3A_687 : vector<16xf32>
        %gather3A_689 = arith.constant 2 : i32
        %gather3A_690 = arith.constant 0 : i32
        %gather3A_691 = arith.constant 0 : i32
        %gather3A_692 = tpu.memref_slice %arg9[%gather3A_689, %gather3A_690, %gather3A_691] : memref<4x200x64xf32, #tpu.memory_space<vmem>> -> memref<1x200x64xf32, #tpu.memory_space<vmem>>
        %gather3A_693 = tpu.memref_squeeze %gather3A_692 : memref<1x200x64xf32, #tpu.memory_space<vmem>> -> memref<200x64xf32, #tpu.memory_space<vmem>>
        %gather3A_694 = tpu.vector_load_idx %gather3A_693[%add3A_36, %select_n3A] : memref<200x64xf32, #tpu.memory_space<vmem>>[vector<16xi32>, vector<16xi32>], vector<16xf32>,
        %mul3A_695 = arith.mulf %gather3A_694, %get3A_601 : vector<16xf32>
        %add3A_696 = arith.addf %scan3A_587, %mul3A_695 : vector<16xf32>
        %gather3A_697 = arith.constant 2 : i32
        %gather3A_698 = arith.constant 0 : i32
        %gather3A_699 = arith.constant 0 : i32
        %gather3A_700 = tpu.memref_slice %arg9[%gather3A_697, %gather3A_698, %gather3A_699] : memref<4x200x64xf32, #tpu.memory_space<vmem>> -> memref<1x200x64xf32, #tpu.memory_space<vmem>>
        %gather3A_701 = tpu.memref_squeeze %gather3A_700 : memref<1x200x64xf32, #tpu.memory_space<vmem>> -> memref<200x64xf32, #tpu.memory_space<vmem>>
        %gather3A_702 = tpu.vector_load_idx %gather3A_701[%add3A_39, %select_n3A] : memref<200x64xf32, #tpu.memory_space<vmem>>[vector<16xi32>, vector<16xi32>], vector<16xf32>,
        %mul3A_703 = arith.mulf %gather3A_702, %get3A_601 : vector<16xf32>
        %add3A_704 = arith.addf %scan3A_588, %mul3A_703 : vector<16xf32>
        scf.yield %add3A_608, %add3A_616, %add3A_624, %add3A_632, %add3A_640, %add3A_648, %add3A_656, %add3A_664, %add3A_672, %add3A_680, %add3A_688, %add3A_696, %add3A_704 : vector<16xf32>, vector<16xf32>, vector<16xf32>, vector<16xf32>, vector<16xf32>, vector<16xf32>, vector<16xf32>, vector<16xf32>, vector<16xf32>, vector<16xf32>, vector<16xf32>, vector<16xf32>, vector<16xf32>
      }
      %scan3A_382 = arith.constant 64 : i32
      %mul3A_383 = arith.constant 200 : i32
      %mul3A_384 = arith.muli %add3A_350, %mul3A_383 : i32
      %add3A_385 = arith.constant 0 : i32
      %add3A_386 = arith.addi %mul3A_384, %add3A_385 : i32
      %swap3A_387 = arith.index_cast %add3A_386 : i32 to index
      %swap3A_388 = tpu.vector_load %arg8[%swap3A_387] {strides = array<i32>} : memref<25600xf32, #tpu.memory_space<vmem>>, vector<16xf32>,
      tpu.vector_store %arg8[%swap3A_387], %scan3A_381#0 {strides = array<i32>} : memref<25600xf32, #tpu.memory_space<vmem>>, vector<16xf32>,
      %mul3A_389 = arith.constant 200 : i32
      %mul3A_390 = arith.muli %add3A_350, %mul3A_389 : i32
      %add3A_391 = arith.constant 16 : i32
      %add3A_392 = arith.addi %mul3A_390, %add3A_391 : i32
      %swap3A_393 = arith.index_cast %add3A_392 : i32 to index
      %swap3A_394 = tpu.vector_load %arg8[%swap3A_393] {strides = array<i32>} : memref<25600xf32, #tpu.memory_space<vmem>>, vector<16xf32>,
      tpu.vector_store %arg8[%swap3A_393], %scan3A_381#1 {strides = array<i32>} : memref<25600xf32, #tpu.memory_space<vmem>>, vector<16xf32>,
      %mul3A_395 = arith.constant 200 : i32
      %mul3A_396 = arith.muli %add3A_350, %mul3A_395 : i32
      %add3A_397 = arith.constant 32 : i32
      %add3A_398 = arith.addi %mul3A_396, %add3A_397 : i32
      %swap3A_399 = arith.index_cast %add3A_398 : i32 to index
      %swap3A_400 = tpu.vector_load %arg8[%swap3A_399] {strides = array<i32>} : memref<25600xf32, #tpu.memory_space<vmem>>, vector<16xf32>,
      tpu.vector_store %arg8[%swap3A_399], %scan3A_381#2 {strides = array<i32>} : memref<25600xf32, #tpu.memory_space<vmem>>, vector<16xf32>,
      %mul3A_401 = arith.constant 200 : i32
      %mul3A_402 = arith.muli %add3A_350, %mul3A_401 : i32
      %add3A_403 = arith.constant 48 : i32
      %add3A_404 = arith.addi %mul3A_402, %add3A_403 : i32
      %swap3A_405 = arith.index_cast %add3A_404 : i32 to index
      %swap3A_406 = tpu.vector_load %arg8[%swap3A_405] {strides = array<i32>} : memref<25600xf32, #tpu.memory_space<vmem>>, vector<16xf32>,
      tpu.vector_store %arg8[%swap3A_405], %scan3A_381#3 {strides = array<i32>} : memref<25600xf32, #tpu.memory_space<vmem>>, vector<16xf32>,
      %mul3A_407 = arith.constant 200 : i32
      %mul3A_408 = arith.muli %add3A_350, %mul3A_407 : i32
      %add3A_409 = arith.constant 64 : i32
      %add3A_410 = arith.addi %mul3A_408, %add3A_409 : i32
      %swap3A_411 = arith.index_cast %add3A_410 : i32 to index
      %swap3A_412 = tpu.vector_load %arg8[%swap3A_411] {strides = array<i32>} : memref<25600xf32, #tpu.memory_space<vmem>>, vector<16xf32>,
      tpu.vector_store %arg8[%swap3A_411], %scan3A_381#4 {strides = array<i32>} : memref<25600xf32, #tpu.memory_space<vmem>>, vector<16xf32>,
      %mul3A_413 = arith.constant 200 : i32
      %mul3A_414 = arith.muli %add3A_350, %mul3A_413 : i32
      %add3A_415 = arith.constant 80 : i32
      %add3A_416 = arith.addi %mul3A_414, %add3A_415 : i32
      %swap3A_417 = arith.index_cast %add3A_416 : i32 to index
      %swap3A_418 = tpu.vector_load %arg8[%swap3A_417] {strides = array<i32>} : memref<25600xf32, #tpu.memory_space<vmem>>, vector<16xf32>,
      tpu.vector_store %arg8[%swap3A_417], %scan3A_381#5 {strides = array<i32>} : memref<25600xf32, #tpu.memory_space<vmem>>, vector<16xf32>,
      %mul3A_419 = arith.constant 200 : i32
      %mul3A_420 = arith.muli %add3A_350, %mul3A_419 : i32
      %add3A_421 = arith.constant 96 : i32
      %add3A_422 = arith.addi %mul3A_420, %add3A_421 : i32
      %swap3A_423 = arith.index_cast %add3A_422 : i32 to index
      %swap3A_424 = tpu.vector_load %arg8[%swap3A_423] {strides = array<i32>} : memref<25600xf32, #tpu.memory_space<vmem>>, vector<16xf32>,
      tpu.vector_store %arg8[%swap3A_423], %scan3A_381#6 {strides = array<i32>} : memref<25600xf32, #tpu.memory_space<vmem>>, vector<16xf32>,
      %mul3A_425 = arith.constant 200 : i32
      %mul3A_426 = arith.muli %add3A_350, %mul3A_425 : i32
      %add3A_427 = arith.constant 112 : i32
      %add3A_428 = arith.addi %mul3A_426, %add3A_427 : i32
      %swap3A_429 = arith.index_cast %add3A_428 : i32 to index
      %swap3A_430 = tpu.vector_load %arg8[%swap3A_429] {strides = array<i32>} : memref<25600xf32, #tpu.memory_space<vmem>>, vector<16xf32>,
      tpu.vector_store %arg8[%swap3A_429], %scan3A_381#7 {strides = array<i32>} : memref<25600xf32, #tpu.memory_space<vmem>>, vector<16xf32>,
      %mul3A_431 = arith.constant 200 : i32
      %mul3A_432 = arith.muli %add3A_350, %mul3A_431 : i32
      %add3A_433 = arith.constant 128 : i32
      %add3A_434 = arith.addi %mul3A_432, %add3A_433 : i32
      %swap3A_435 = arith.index_cast %add3A_434 : i32 to index
      %swap3A_436 = tpu.vector_load %arg8[%swap3A_435] {strides = array<i32>} : memref<25600xf32, #tpu.memory_space<vmem>>, vector<16xf32>,
      tpu.vector_store %arg8[%swap3A_435], %scan3A_381#8 {strides = array<i32>} : memref<25600xf32, #tpu.memory_space<vmem>>, vector<16xf32>,
      %mul3A_437 = arith.constant 200 : i32
      %mul3A_438 = arith.muli %add3A_350, %mul3A_437 : i32
      %add3A_439 = arith.constant 144 : i32
      %add3A_440 = arith.addi %mul3A_438, %add3A_439 : i32
      %swap3A_441 = arith.index_cast %add3A_440 : i32 to index
      %swap3A_442 = tpu.vector_load %arg8[%swap3A_441] {strides = array<i32>} : memref<25600xf32, #tpu.memory_space<vmem>>, vector<16xf32>,
      tpu.vector_store %arg8[%swap3A_441], %scan3A_381#9 {strides = array<i32>} : memref<25600xf32, #tpu.memory_space<vmem>>, vector<16xf32>,
      %mul3A_443 = arith.constant 200 : i32
      %mul3A_444 = arith.muli %add3A_350, %mul3A_443 : i32
      %add3A_445 = arith.constant 160 : i32
      %add3A_446 = arith.addi %mul3A_444, %add3A_445 : i32
      %swap3A_447 = arith.index_cast %add3A_446 : i32 to index
      %swap3A_448 = tpu.vector_load %arg8[%swap3A_447] {strides = array<i32>} : memref<25600xf32, #tpu.memory_space<vmem>>, vector<16xf32>,
      tpu.vector_store %arg8[%swap3A_447], %scan3A_381#10 {strides = array<i32>} : memref<25600xf32, #tpu.memory_space<vmem>>, vector<16xf32>,
      %mul3A_449 = arith.constant 200 : i32
      %mul3A_450 = arith.muli %add3A_350, %mul3A_449 : i32
      %add3A_451 = arith.constant 176 : i32
      %add3A_452 = arith.addi %mul3A_450, %add3A_451 : i32
      %swap3A_453 = arith.index_cast %add3A_452 : i32 to index
      %swap3A_454 = tpu.vector_load %arg8[%swap3A_453] {strides = array<i32>} : memref<25600xf32, #tpu.memory_space<vmem>>, vector<16xf32>,
      tpu.vector_store %arg8[%swap3A_453], %scan3A_381#11 {strides = array<i32>} : memref<25600xf32, #tpu.memory_space<vmem>>, vector<16xf32>,
      %mul3A_455 = arith.constant 200 : i32
      %mul3A_456 = arith.muli %add3A_350, %mul3A_455 : i32
      %add3A_457 = arith.constant 184 : i32
      %add3A_458 = arith.addi %mul3A_456, %add3A_457 : i32
      %swap3A_459 = arith.index_cast %add3A_458 : i32 to index
      %swap3A_460 = tpu.vector_load %arg8[%swap3A_459] {strides = array<i32>} : memref<25600xf32, #tpu.memory_space<vmem>>, vector<16xf32>,
      tpu.vector_store %arg8[%swap3A_459], %scan3A_381#12 {strides = array<i32>} : memref<25600xf32, #tpu.memory_space<vmem>>, vector<16xf32>,
      %mul3A_461 = arith.constant 4 : i32
      %mul3A_462 = arith.muli %add3A_125, %mul3A_461 : i32
      %add3A_463 = arith.constant 3 : i32
      %add3A_464 = arith.addi %mul3A_462, %add3A_463 : i32
      %dma_wait3A_465 = arith.constant 3 : i32
      %dma_wait3A_466 = arith.constant 0 : i32
      %dma_wait3A_467 = arith.constant 0 : i32
      %dma_wait3A_468 = tpu.memref_slice %arg9[%dma_wait3A_465, %dma_wait3A_466, %dma_wait3A_467] : memref<4x200x64xf32, #tpu.memory_space<vmem>> -> memref<1x200x64xf32, #tpu.memory_space<vmem>>
      %dma_wait3A_469 = tpu.memref_squeeze %dma_wait3A_468 : memref<1x200x64xf32, #tpu.memory_space<vmem>> -> memref<200x64xf32, #tpu.memory_space<vmem>>
      %dma_wait3A_470 = arith.constant 0 : i32
      %dma_wait3A_471 = arith.constant 0 : i32
      %dma_wait3A_472 = tpu.memref_slice %arg4[%dma_wait3A_470, %dma_wait3A_471] : memref<1000000x64xf32, #tpu.memory_space<hbm>> -> memref<200x64xf32, #tpu.memory_space<hbm>>
      %dma_wait3A_473 = arith.constant 0 : i32
      %dma_wait3A_474 = arith.constant 0 : i32
      %dma_wait3A_475 = tpu.memref_slice %arg9[%dma_wait3A_465, %dma_wait3A_473, %dma_wait3A_474] : memref<4x200x64xf32, #tpu.memory_space<vmem>> -> memref<1x200x64xf32, #tpu.memory_space<vmem>>
      %dma_wait3A_476 = tpu.memref_squeeze %dma_wait3A_475 : memref<1x200x64xf32, #tpu.memory_space<vmem>> -> memref<200x64xf32, #tpu.memory_space<vmem>>
      %dma_wait3A_477 = arith.constant 0 : i32
      %dma_wait3A_478 = arith.constant 0 : i32
      %dma_wait3A_479 = tpu.memref_slice %arg4[%dma_wait3A_477, %dma_wait3A_478] : memref<1000000x64xf32, #tpu.memory_space<hbm>> -> memref<200x64xf32, #tpu.memory_space<hbm>>
      tpu.wait_dma2 semaphore(%arg13 : memref<!tpu.dma_semaphore, #tpu.memory_space<semaphore_mem>>) src(%dma_wait3A_479 : memref<200x64xf32, #tpu.memory_space<hbm>>) dst(%dma_wait3A_476 : memref<200x64xf32, #tpu.memory_space<vmem>>)
      %add3A_480 = arith.constant 4 : i32
      %add3A_481 = arith.addi %add3A_464, %add3A_480 : i32
      %sub3A_482 = arith.constant 1 : i32
      %sub3A_483 = arith.subi %add3A_481, %sub3A_482 : i32
      %lt3A_484 = arith.constant 128 : i32
      %lt3A_485 = arith.cmpi slt, %sub3A_483, %lt3A_484 : i32
      %convert_element_type3A_486 = arith.extui %lt3A_485 : i1 to i32
      %cond3A_487 = arith.constant 0 : i32
      %cond3A_488 = arith.cmpi ne, %convert_element_type3A_486, %cond3A_487 : i32
      scf.if %cond3A_488 {
        %add3A_575 = arith.constant 4 : i32
        %add3A_576 = arith.addi %add3A_464, %add3A_575 : i32
        %sub3A_577 = arith.constant 1 : i32
        %sub3A_578 = arith.subi %add3A_576, %sub3A_577 : i32
        %dma_start3A_579 = arith.constant 0 : i32
        %dma_start3A_580 = arith.constant 2 : i32
        %dma_start3A_581 = arith.constant 0 : i32
        %dma_start3A_582 = arith.constant 0 : i32
        %dma_start3A_583 = tpu.memref_slice %arg9[%dma_start3A_580, %dma_start3A_581, %dma_start3A_582] : memref<4x200x64xf32, #tpu.memory_space<vmem>> -> memref<1x100x64xf32, #tpu.memory_space<vmem>>
        %dma_start3A_584 = tpu.memref_squeeze %dma_start3A_583 : memref<1x100x64xf32, #tpu.memory_space<vmem>> -> memref<100x64xf32, #tpu.memory_space<vmem>>
        %dma_start3A_585 = arith.constant 0 : i32
        %dma_start3A_586 = tpu.memref_slice %arg6[%sub3A_578, %dma_start3A_579, %dma_start3A_585] : memref<128x2x100xi32, #tpu.memory_space<vmem>> -> memref<1x1x100xi32, #tpu.memory_space<vmem>>
        %dma_start3A_587 = tpu.memref_squeeze %dma_start3A_586 : memref<1x1x100xi32, #tpu.memory_space<vmem>> -> memref<100xi32, #tpu.memory_space<vmem>>
        %dma_start3A_588 = arith.constant 0 : i32
        %dma_start3A_589 = arith.constant 0 : i32
        %dma_start3A_590 = tpu.memref_slice %arg4[%dma_start3A_588, %dma_start3A_589] : memref<1000000x64xf32, #tpu.memory_space<hbm>> -> memref<1000000x64xf32, #tpu.memory_space<hbm>>
        tpu.enqueue_indirect_dma source(%dma_start3A_590 : memref<1000000x64xf32, #tpu.memory_space<hbm>>) target(%dma_start3A_584 : memref<100x64xf32, #tpu.memory_space<vmem>>) offsets(%dma_start3A_587 : memref<100xi32, #tpu.memory_space<vmem>>) semaphore(%arg12 : memref<!tpu.dma_semaphore, #tpu.memory_space<semaphore_mem>>)
        %dma_start3A_591 = arith.constant 1 : i32
        %dma_start3A_592 = arith.constant 2 : i32
        %dma_start3A_593 = arith.constant 100 : i32
        %dma_start3A_594 = arith.constant 0 : i32
        %dma_start3A_595 = tpu.memref_slice %arg9[%dma_start3A_592, %dma_start3A_593, %dma_start3A_594] : memref<4x200x64xf32, #tpu.memory_space<vmem>> -> memref<1x100x64xf32, #tpu.memory_space<vmem>>
        %dma_start3A_596 = tpu.memref_squeeze %dma_start3A_595 : memref<1x100x64xf32, #tpu.memory_space<vmem>> -> memref<100x64xf32, #tpu.memory_space<vmem>>
        %dma_start3A_597 = arith.constant 0 : i32
        %dma_start3A_598 = tpu.memref_slice %arg6[%sub3A_578, %dma_start3A_591, %dma_start3A_597] : memref<128x2x100xi32, #tpu.memory_space<vmem>> -> memref<1x1x100xi32, #tpu.memory_space<vmem>>
        %dma_start3A_599 = tpu.memref_squeeze %dma_start3A_598 : memref<1x1x100xi32, #tpu.memory_space<vmem>> -> memref<100xi32, #tpu.memory_space<vmem>>
        %dma_start3A_600 = arith.constant 0 : i32
        %dma_start3A_601 = arith.constant 0 : i32
        %dma_start3A_602 = tpu.memref_slice %arg4[%dma_start3A_600, %dma_start3A_601] : memref<1000000x64xf32, #tpu.memory_space<hbm>> -> memref<1000000x64xf32, #tpu.memory_space<hbm>>
        tpu.enqueue_indirect_dma source(%dma_start3A_602 : memref<1000000x64xf32, #tpu.memory_space<hbm>>) target(%dma_start3A_596 : memref<100x64xf32, #tpu.memory_space<vmem>>) offsets(%dma_start3A_599 : memref<100xi32, #tpu.memory_space<vmem>>) semaphore(%arg12 : memref<!tpu.dma_semaphore, #tpu.memory_space<semaphore_mem>>)
      } else {
      }
      %broadcast_in_dim3A_489 = arith.constant 0.000000e+00 : f32
      %broadcast_in_dim3A_490 = vector.broadcast %broadcast_in_dim3A_489 : f32 to vector<16xf32>
      %scan3A_491 = arith.constant 0 : i32
      %scan3A_492 = arith.constant 64 : i32
      %scan3A_493 = arith.addi %scan3A_491, %scan3A_492 : i32
      %scan3A_494 = arith.constant 1 : i32
      %scan3A_495:13 = scf.for %scan3A_575 = %scan3A_491 to %scan3A_493 step %scan3A_494 iter_args(%scan3A_576 = %broadcast_in_dim3A_490, %scan3A_577 = %broadcast_in_dim3A_490, %scan3A_578 = %broadcast_in_dim3A_490, %scan3A_579 = %broadcast_in_dim3A_490, %scan3A_580 = %broadcast_in_dim3A_490, %scan3A_581 = %broadcast_in_dim3A_490, %scan3A_582 = %broadcast_in_dim3A_490, %scan3A_583 = %broadcast_in_dim3A_490, %scan3A_584 = %broadcast_in_dim3A_490, %scan3A_585 = %broadcast_in_dim3A_490, %scan3A_586 = %broadcast_in_dim3A_490, %scan3A_587 = %broadcast_in_dim3A_490, %scan3A_588 = %broadcast_in_dim3A_490) -> (vector<16xf32>, vector<16xf32>, vector<16xf32>, vector<16xf32>, vector<16xf32>, vector<16xf32>, vector<16xf32>, vector<16xf32>, vector<16xf32>, vector<16xf32>, vector<16xf32>, vector<16xf32>, vector<16xf32>)  : i32 {
        %mul3A_589 = arith.constant 1 : i32
        %mul3A_590 = arith.muli %scan3A_575, %mul3A_589 : i32
        %add3A_591 = arith.constant 0 : i32
        %add3A_592 = arith.addi %add3A_591, %mul3A_590 : i32
        %add3A_593 = vector.broadcast %add3A_592 : i32 to vector<16xi32>
        %add3A_594 = arith.addi %iota3A, %add3A_593 : vector<16xi32>
        %ge3A = arith.constant 64 : i32
        %ge3A_595 = vector.broadcast %ge3A : i32 to vector<16xi32>
        %ge3A_596 = arith.cmpi sge, %add3A_594, %ge3A_595 : vector<16xi32>
        %sub3A_597 = arith.constant 64 : i32
        %sub3A_598 = vector.broadcast %sub3A_597 : i32 to vector<16xi32>
        %sub3A_599 = arith.subi %add3A_594, %sub3A_598 : vector<16xi32>
        %select_n3A = arith.select %ge3A_596, %sub3A_599, %add3A_594 : vector<16xi1>, vector<16xi32>
        %get3A = arith.index_cast %add3A_464 : i32 to index
        %get3A_600 = arith.index_cast %add3A_592 : i32 to index
        %get3A_601 = tpu.vector_load %arg7[%get3A, %get3A_600] {strides = array<i32>} : memref<128x80xf32, #tpu.memory_space<vmem>>, vector<16xf32>,
        %gather3A = arith.constant 3 : i32
        %gather3A_602 = arith.constant 0 : i32
        %gather3A_603 = arith.constant 0 : i32
        %gather3A_604 = tpu.memref_slice %arg9[%gather3A, %gather3A_602, %gather3A_603] : memref<4x200x64xf32, #tpu.memory_space<vmem>> -> memref<1x200x64xf32, #tpu.memory_space<vmem>>
        %gather3A_605 = tpu.memref_squeeze %gather3A_604 : memref<1x200x64xf32, #tpu.memory_space<vmem>> -> memref<200x64xf32, #tpu.memory_space<vmem>>
        %gather3A_606 = tpu.vector_load_idx %gather3A_605[%add3A_3, %select_n3A] : memref<200x64xf32, #tpu.memory_space<vmem>>[vector<16xi32>, vector<16xi32>], vector<16xf32>,
        %mul3A_607 = arith.mulf %gather3A_606, %get3A_601 : vector<16xf32>
        %add3A_608 = arith.addf %scan3A_576, %mul3A_607 : vector<16xf32>
        %gather3A_609 = arith.constant 3 : i32
        %gather3A_610 = arith.constant 0 : i32
        %gather3A_611 = arith.constant 0 : i32
        %gather3A_612 = tpu.memref_slice %arg9[%gather3A_609, %gather3A_610, %gather3A_611] : memref<4x200x64xf32, #tpu.memory_space<vmem>> -> memref<1x200x64xf32, #tpu.memory_space<vmem>>
        %gather3A_613 = tpu.memref_squeeze %gather3A_612 : memref<1x200x64xf32, #tpu.memory_space<vmem>> -> memref<200x64xf32, #tpu.memory_space<vmem>>
        %gather3A_614 = tpu.vector_load_idx %gather3A_613[%add3A_6, %select_n3A] : memref<200x64xf32, #tpu.memory_space<vmem>>[vector<16xi32>, vector<16xi32>], vector<16xf32>,
        %mul3A_615 = arith.mulf %gather3A_614, %get3A_601 : vector<16xf32>
        %add3A_616 = arith.addf %scan3A_577, %mul3A_615 : vector<16xf32>
        %gather3A_617 = arith.constant 3 : i32
        %gather3A_618 = arith.constant 0 : i32
        %gather3A_619 = arith.constant 0 : i32
        %gather3A_620 = tpu.memref_slice %arg9[%gather3A_617, %gather3A_618, %gather3A_619] : memref<4x200x64xf32, #tpu.memory_space<vmem>> -> memref<1x200x64xf32, #tpu.memory_space<vmem>>
        %gather3A_621 = tpu.memref_squeeze %gather3A_620 : memref<1x200x64xf32, #tpu.memory_space<vmem>> -> memref<200x64xf32, #tpu.memory_space<vmem>>
        %gather3A_622 = tpu.vector_load_idx %gather3A_621[%add3A_9, %select_n3A] : memref<200x64xf32, #tpu.memory_space<vmem>>[vector<16xi32>, vector<16xi32>], vector<16xf32>,
        %mul3A_623 = arith.mulf %gather3A_622, %get3A_601 : vector<16xf32>
        %add3A_624 = arith.addf %scan3A_578, %mul3A_623 : vector<16xf32>
        %gather3A_625 = arith.constant 3 : i32
        %gather3A_626 = arith.constant 0 : i32
        %gather3A_627 = arith.constant 0 : i32
        %gather3A_628 = tpu.memref_slice %arg9[%gather3A_625, %gather3A_626, %gather3A_627] : memref<4x200x64xf32, #tpu.memory_space<vmem>> -> memref<1x200x64xf32, #tpu.memory_space<vmem>>
        %gather3A_629 = tpu.memref_squeeze %gather3A_628 : memref<1x200x64xf32, #tpu.memory_space<vmem>> -> memref<200x64xf32, #tpu.memory_space<vmem>>
        %gather3A_630 = tpu.vector_load_idx %gather3A_629[%add3A_12, %select_n3A] : memref<200x64xf32, #tpu.memory_space<vmem>>[vector<16xi32>, vector<16xi32>], vector<16xf32>,
        %mul3A_631 = arith.mulf %gather3A_630, %get3A_601 : vector<16xf32>
        %add3A_632 = arith.addf %scan3A_579, %mul3A_631 : vector<16xf32>
        %gather3A_633 = arith.constant 3 : i32
        %gather3A_634 = arith.constant 0 : i32
        %gather3A_635 = arith.constant 0 : i32
        %gather3A_636 = tpu.memref_slice %arg9[%gather3A_633, %gather3A_634, %gather3A_635] : memref<4x200x64xf32, #tpu.memory_space<vmem>> -> memref<1x200x64xf32, #tpu.memory_space<vmem>>
        %gather3A_637 = tpu.memref_squeeze %gather3A_636 : memref<1x200x64xf32, #tpu.memory_space<vmem>> -> memref<200x64xf32, #tpu.memory_space<vmem>>
        %gather3A_638 = tpu.vector_load_idx %gather3A_637[%add3A_15, %select_n3A] : memref<200x64xf32, #tpu.memory_space<vmem>>[vector<16xi32>, vector<16xi32>], vector<16xf32>,
        %mul3A_639 = arith.mulf %gather3A_638, %get3A_601 : vector<16xf32>
        %add3A_640 = arith.addf %scan3A_580, %mul3A_639 : vector<16xf32>
        %gather3A_641 = arith.constant 3 : i32
        %gather3A_642 = arith.constant 0 : i32
        %gather3A_643 = arith.constant 0 : i32
        %gather3A_644 = tpu.memref_slice %arg9[%gather3A_641, %gather3A_642, %gather3A_643] : memref<4x200x64xf32, #tpu.memory_space<vmem>> -> memref<1x200x64xf32, #tpu.memory_space<vmem>>
        %gather3A_645 = tpu.memref_squeeze %gather3A_644 : memref<1x200x64xf32, #tpu.memory_space<vmem>> -> memref<200x64xf32, #tpu.memory_space<vmem>>
        %gather3A_646 = tpu.vector_load_idx %gather3A_645[%add3A_18, %select_n3A] : memref<200x64xf32, #tpu.memory_space<vmem>>[vector<16xi32>, vector<16xi32>], vector<16xf32>,
        %mul3A_647 = arith.mulf %gather3A_646, %get3A_601 : vector<16xf32>
        %add3A_648 = arith.addf %scan3A_581, %mul3A_647 : vector<16xf32>
        %gather3A_649 = arith.constant 3 : i32
        %gather3A_650 = arith.constant 0 : i32
        %gather3A_651 = arith.constant 0 : i32
        %gather3A_652 = tpu.memref_slice %arg9[%gather3A_649, %gather3A_650, %gather3A_651] : memref<4x200x64xf32, #tpu.memory_space<vmem>> -> memref<1x200x64xf32, #tpu.memory_space<vmem>>
        %gather3A_653 = tpu.memref_squeeze %gather3A_652 : memref<1x200x64xf32, #tpu.memory_space<vmem>> -> memref<200x64xf32, #tpu.memory_space<vmem>>
        %gather3A_654 = tpu.vector_load_idx %gather3A_653[%add3A_21, %select_n3A] : memref<200x64xf32, #tpu.memory_space<vmem>>[vector<16xi32>, vector<16xi32>], vector<16xf32>,
        %mul3A_655 = arith.mulf %gather3A_654, %get3A_601 : vector<16xf32>
        %add3A_656 = arith.addf %scan3A_582, %mul3A_655 : vector<16xf32>
        %gather3A_657 = arith.constant 3 : i32
        %gather3A_658 = arith.constant 0 : i32
        %gather3A_659 = arith.constant 0 : i32
        %gather3A_660 = tpu.memref_slice %arg9[%gather3A_657, %gather3A_658, %gather3A_659] : memref<4x200x64xf32, #tpu.memory_space<vmem>> -> memref<1x200x64xf32, #tpu.memory_space<vmem>>
        %gather3A_661 = tpu.memref_squeeze %gather3A_660 : memref<1x200x64xf32, #tpu.memory_space<vmem>> -> memref<200x64xf32, #tpu.memory_space<vmem>>
        %gather3A_662 = tpu.vector_load_idx %gather3A_661[%add3A_24, %select_n3A] : memref<200x64xf32, #tpu.memory_space<vmem>>[vector<16xi32>, vector<16xi32>], vector<16xf32>,
        %mul3A_663 = arith.mulf %gather3A_662, %get3A_601 : vector<16xf32>
        %add3A_664 = arith.addf %scan3A_583, %mul3A_663 : vector<16xf32>
        %gather3A_665 = arith.constant 3 : i32
        %gather3A_666 = arith.constant 0 : i32
        %gather3A_667 = arith.constant 0 : i32
        %gather3A_668 = tpu.memref_slice %arg9[%gather3A_665, %gather3A_666, %gather3A_667] : memref<4x200x64xf32, #tpu.memory_space<vmem>> -> memref<1x200x64xf32, #tpu.memory_space<vmem>>
        %gather3A_669 = tpu.memref_squeeze %gather3A_668 : memref<1x200x64xf32, #tpu.memory_space<vmem>> -> memref<200x64xf32, #tpu.memory_space<vmem>>
        %gather3A_670 = tpu.vector_load_idx %gather3A_669[%add3A_27, %select_n3A] : memref<200x64xf32, #tpu.memory_space<vmem>>[vector<16xi32>, vector<16xi32>], vector<16xf32>,
        %mul3A_671 = arith.mulf %gather3A_670, %get3A_601 : vector<16xf32>
        %add3A_672 = arith.addf %scan3A_584, %mul3A_671 : vector<16xf32>
        %gather3A_673 = arith.constant 3 : i32
        %gather3A_674 = arith.constant 0 : i32
        %gather3A_675 = arith.constant 0 : i32
        %gather3A_676 = tpu.memref_slice %arg9[%gather3A_673, %gather3A_674, %gather3A_675] : memref<4x200x64xf32, #tpu.memory_space<vmem>> -> memref<1x200x64xf32, #tpu.memory_space<vmem>>
        %gather3A_677 = tpu.memref_squeeze %gather3A_676 : memref<1x200x64xf32, #tpu.memory_space<vmem>> -> memref<200x64xf32, #tpu.memory_space<vmem>>
        %gather3A_678 = tpu.vector_load_idx %gather3A_677[%add3A_30, %select_n3A] : memref<200x64xf32, #tpu.memory_space<vmem>>[vector<16xi32>, vector<16xi32>], vector<16xf32>,
        %mul3A_679 = arith.mulf %gather3A_678, %get3A_601 : vector<16xf32>
        %add3A_680 = arith.addf %scan3A_585, %mul3A_679 : vector<16xf32>
        %gather3A_681 = arith.constant 3 : i32
        %gather3A_682 = arith.constant 0 : i32
        %gather3A_683 = arith.constant 0 : i32
        %gather3A_684 = tpu.memref_slice %arg9[%gather3A_681, %gather3A_682, %gather3A_683] : memref<4x200x64xf32, #tpu.memory_space<vmem>> -> memref<1x200x64xf32, #tpu.memory_space<vmem>>
        %gather3A_685 = tpu.memref_squeeze %gather3A_684 : memref<1x200x64xf32, #tpu.memory_space<vmem>> -> memref<200x64xf32, #tpu.memory_space<vmem>>
        %gather3A_686 = tpu.vector_load_idx %gather3A_685[%add3A_33, %select_n3A] : memref<200x64xf32, #tpu.memory_space<vmem>>[vector<16xi32>, vector<16xi32>], vector<16xf32>,
        %mul3A_687 = arith.mulf %gather3A_686, %get3A_601 : vector<16xf32>
        %add3A_688 = arith.addf %scan3A_586, %mul3A_687 : vector<16xf32>
        %gather3A_689 = arith.constant 3 : i32
        %gather3A_690 = arith.constant 0 : i32
        %gather3A_691 = arith.constant 0 : i32
        %gather3A_692 = tpu.memref_slice %arg9[%gather3A_689, %gather3A_690, %gather3A_691] : memref<4x200x64xf32, #tpu.memory_space<vmem>> -> memref<1x200x64xf32, #tpu.memory_space<vmem>>
        %gather3A_693 = tpu.memref_squeeze %gather3A_692 : memref<1x200x64xf32, #tpu.memory_space<vmem>> -> memref<200x64xf32, #tpu.memory_space<vmem>>
        %gather3A_694 = tpu.vector_load_idx %gather3A_693[%add3A_36, %select_n3A] : memref<200x64xf32, #tpu.memory_space<vmem>>[vector<16xi32>, vector<16xi32>], vector<16xf32>,
        %mul3A_695 = arith.mulf %gather3A_694, %get3A_601 : vector<16xf32>
        %add3A_696 = arith.addf %scan3A_587, %mul3A_695 : vector<16xf32>
        %gather3A_697 = arith.constant 3 : i32
        %gather3A_698 = arith.constant 0 : i32
        %gather3A_699 = arith.constant 0 : i32
        %gather3A_700 = tpu.memref_slice %arg9[%gather3A_697, %gather3A_698, %gather3A_699] : memref<4x200x64xf32, #tpu.memory_space<vmem>> -> memref<1x200x64xf32, #tpu.memory_space<vmem>>
        %gather3A_701 = tpu.memref_squeeze %gather3A_700 : memref<1x200x64xf32, #tpu.memory_space<vmem>> -> memref<200x64xf32, #tpu.memory_space<vmem>>
        %gather3A_702 = tpu.vector_load_idx %gather3A_701[%add3A_39, %select_n3A] : memref<200x64xf32, #tpu.memory_space<vmem>>[vector<16xi32>, vector<16xi32>], vector<16xf32>,
        %mul3A_703 = arith.mulf %gather3A_702, %get3A_601 : vector<16xf32>
        %add3A_704 = arith.addf %scan3A_588, %mul3A_703 : vector<16xf32>
        scf.yield %add3A_608, %add3A_616, %add3A_624, %add3A_632, %add3A_640, %add3A_648, %add3A_656, %add3A_664, %add3A_672, %add3A_680, %add3A_688, %add3A_696, %add3A_704 : vector<16xf32>, vector<16xf32>, vector<16xf32>, vector<16xf32>, vector<16xf32>, vector<16xf32>, vector<16xf32>, vector<16xf32>, vector<16xf32>, vector<16xf32>, vector<16xf32>, vector<16xf32>, vector<16xf32>
      }
      %scan3A_496 = arith.constant 64 : i32
      %mul3A_497 = arith.constant 200 : i32
      %mul3A_498 = arith.muli %add3A_464, %mul3A_497 : i32
      %add3A_499 = arith.constant 0 : i32
      %add3A_500 = arith.addi %mul3A_498, %add3A_499 : i32
      %swap3A_501 = arith.index_cast %add3A_500 : i32 to index
      %swap3A_502 = tpu.vector_load %arg8[%swap3A_501] {strides = array<i32>} : memref<25600xf32, #tpu.memory_space<vmem>>, vector<16xf32>,
      tpu.vector_store %arg8[%swap3A_501], %scan3A_495#0 {strides = array<i32>} : memref<25600xf32, #tpu.memory_space<vmem>>, vector<16xf32>,
      %mul3A_503 = arith.constant 200 : i32
      %mul3A_504 = arith.muli %add3A_464, %mul3A_503 : i32
      %add3A_505 = arith.constant 16 : i32
      %add3A_506 = arith.addi %mul3A_504, %add3A_505 : i32
      %swap3A_507 = arith.index_cast %add3A_506 : i32 to index
      %swap3A_508 = tpu.vector_load %arg8[%swap3A_507] {strides = array<i32>} : memref<25600xf32, #tpu.memory_space<vmem>>, vector<16xf32>,
      tpu.vector_store %arg8[%swap3A_507], %scan3A_495#1 {strides = array<i32>} : memref<25600xf32, #tpu.memory_space<vmem>>, vector<16xf32>,
      %mul3A_509 = arith.constant 200 : i32
      %mul3A_510 = arith.muli %add3A_464, %mul3A_509 : i32
      %add3A_511 = arith.constant 32 : i32
      %add3A_512 = arith.addi %mul3A_510, %add3A_511 : i32
      %swap3A_513 = arith.index_cast %add3A_512 : i32 to index
      %swap3A_514 = tpu.vector_load %arg8[%swap3A_513] {strides = array<i32>} : memref<25600xf32, #tpu.memory_space<vmem>>, vector<16xf32>,
      tpu.vector_store %arg8[%swap3A_513], %scan3A_495#2 {strides = array<i32>} : memref<25600xf32, #tpu.memory_space<vmem>>, vector<16xf32>,
      %mul3A_515 = arith.constant 200 : i32
      %mul3A_516 = arith.muli %add3A_464, %mul3A_515 : i32
      %add3A_517 = arith.constant 48 : i32
      %add3A_518 = arith.addi %mul3A_516, %add3A_517 : i32
      %swap3A_519 = arith.index_cast %add3A_518 : i32 to index
      %swap3A_520 = tpu.vector_load %arg8[%swap3A_519] {strides = array<i32>} : memref<25600xf32, #tpu.memory_space<vmem>>, vector<16xf32>,
      tpu.vector_store %arg8[%swap3A_519], %scan3A_495#3 {strides = array<i32>} : memref<25600xf32, #tpu.memory_space<vmem>>, vector<16xf32>,
      %mul3A_521 = arith.constant 200 : i32
      %mul3A_522 = arith.muli %add3A_464, %mul3A_521 : i32
      %add3A_523 = arith.constant 64 : i32
      %add3A_524 = arith.addi %mul3A_522, %add3A_523 : i32
      %swap3A_525 = arith.index_cast %add3A_524 : i32 to index
      %swap3A_526 = tpu.vector_load %arg8[%swap3A_525] {strides = array<i32>} : memref<25600xf32, #tpu.memory_space<vmem>>, vector<16xf32>,
      tpu.vector_store %arg8[%swap3A_525], %scan3A_495#4 {strides = array<i32>} : memref<25600xf32, #tpu.memory_space<vmem>>, vector<16xf32>,
      %mul3A_527 = arith.constant 200 : i32
      %mul3A_528 = arith.muli %add3A_464, %mul3A_527 : i32
      %add3A_529 = arith.constant 80 : i32
      %add3A_530 = arith.addi %mul3A_528, %add3A_529 : i32
      %swap3A_531 = arith.index_cast %add3A_530 : i32 to index
      %swap3A_532 = tpu.vector_load %arg8[%swap3A_531] {strides = array<i32>} : memref<25600xf32, #tpu.memory_space<vmem>>, vector<16xf32>,
      tpu.vector_store %arg8[%swap3A_531], %scan3A_495#5 {strides = array<i32>} : memref<25600xf32, #tpu.memory_space<vmem>>, vector<16xf32>,
      %mul3A_533 = arith.constant 200 : i32
      %mul3A_534 = arith.muli %add3A_464, %mul3A_533 : i32
      %add3A_535 = arith.constant 96 : i32
      %add3A_536 = arith.addi %mul3A_534, %add3A_535 : i32
      %swap3A_537 = arith.index_cast %add3A_536 : i32 to index
      %swap3A_538 = tpu.vector_load %arg8[%swap3A_537] {strides = array<i32>} : memref<25600xf32, #tpu.memory_space<vmem>>, vector<16xf32>,
      tpu.vector_store %arg8[%swap3A_537], %scan3A_495#6 {strides = array<i32>} : memref<25600xf32, #tpu.memory_space<vmem>>, vector<16xf32>,
      %mul3A_539 = arith.constant 200 : i32
      %mul3A_540 = arith.muli %add3A_464, %mul3A_539 : i32
      %add3A_541 = arith.constant 112 : i32
      %add3A_542 = arith.addi %mul3A_540, %add3A_541 : i32
      %swap3A_543 = arith.index_cast %add3A_542 : i32 to index
      %swap3A_544 = tpu.vector_load %arg8[%swap3A_543] {strides = array<i32>} : memref<25600xf32, #tpu.memory_space<vmem>>, vector<16xf32>,
      tpu.vector_store %arg8[%swap3A_543], %scan3A_495#7 {strides = array<i32>} : memref<25600xf32, #tpu.memory_space<vmem>>, vector<16xf32>,
      %mul3A_545 = arith.constant 200 : i32
      %mul3A_546 = arith.muli %add3A_464, %mul3A_545 : i32
      %add3A_547 = arith.constant 128 : i32
      %add3A_548 = arith.addi %mul3A_546, %add3A_547 : i32
      %swap3A_549 = arith.index_cast %add3A_548 : i32 to index
      %swap3A_550 = tpu.vector_load %arg8[%swap3A_549] {strides = array<i32>} : memref<25600xf32, #tpu.memory_space<vmem>>, vector<16xf32>,
      tpu.vector_store %arg8[%swap3A_549], %scan3A_495#8 {strides = array<i32>} : memref<25600xf32, #tpu.memory_space<vmem>>, vector<16xf32>,
      %mul3A_551 = arith.constant 200 : i32
      %mul3A_552 = arith.muli %add3A_464, %mul3A_551 : i32
      %add3A_553 = arith.constant 144 : i32
      %add3A_554 = arith.addi %mul3A_552, %add3A_553 : i32
      %swap3A_555 = arith.index_cast %add3A_554 : i32 to index
      %swap3A_556 = tpu.vector_load %arg8[%swap3A_555] {strides = array<i32>} : memref<25600xf32, #tpu.memory_space<vmem>>, vector<16xf32>,
      tpu.vector_store %arg8[%swap3A_555], %scan3A_495#9 {strides = array<i32>} : memref<25600xf32, #tpu.memory_space<vmem>>, vector<16xf32>,
      %mul3A_557 = arith.constant 200 : i32
      %mul3A_558 = arith.muli %add3A_464, %mul3A_557 : i32
      %add3A_559 = arith.constant 160 : i32
      %add3A_560 = arith.addi %mul3A_558, %add3A_559 : i32
      %swap3A_561 = arith.index_cast %add3A_560 : i32 to index
      %swap3A_562 = tpu.vector_load %arg8[%swap3A_561] {strides = array<i32>} : memref<25600xf32, #tpu.memory_space<vmem>>, vector<16xf32>,
      tpu.vector_store %arg8[%swap3A_561], %scan3A_495#10 {strides = array<i32>} : memref<25600xf32, #tpu.memory_space<vmem>>, vector<16xf32>,
      %mul3A_563 = arith.constant 200 : i32
      %mul3A_564 = arith.muli %add3A_464, %mul3A_563 : i32
      %add3A_565 = arith.constant 176 : i32
      %add3A_566 = arith.addi %mul3A_564, %add3A_565 : i32
      %swap3A_567 = arith.index_cast %add3A_566 : i32 to index
      %swap3A_568 = tpu.vector_load %arg8[%swap3A_567] {strides = array<i32>} : memref<25600xf32, #tpu.memory_space<vmem>>, vector<16xf32>,
      tpu.vector_store %arg8[%swap3A_567], %scan3A_495#11 {strides = array<i32>} : memref<25600xf32, #tpu.memory_space<vmem>>, vector<16xf32>,
      %mul3A_569 = arith.constant 200 : i32
      %mul3A_570 = arith.muli %add3A_464, %mul3A_569 : i32
      %add3A_571 = arith.constant 184 : i32
      %add3A_572 = arith.addi %mul3A_570, %add3A_571 : i32
      %swap3A_573 = arith.index_cast %add3A_572 : i32 to index
      %swap3A_574 = tpu.vector_load %arg8[%swap3A_573] {strides = array<i32>} : memref<25600xf32, #tpu.memory_space<vmem>>, vector<16xf32>,
      tpu.vector_store %arg8[%swap3A_573], %scan3A_495#12 {strides = array<i32>} : memref<25600xf32, #tpu.memory_space<vmem>>, vector<16xf32>,
    }
    %scan3A_120 = arith.constant 32 : i32
    "tpu.region"() ({
      %run_scoped3A = tpu.sem_alloc : memref<!tpu.dma_semaphore, #tpu.memory_space<semaphore_mem>>
      %dma_start3A_121 = arith.constant 0 : i32
      %dma_start3A_122 = tpu.memref_slice %arg5[%add3A, %dma_start3A_121] : memref<32x25600xf32, #tpu.memory_space<hbm>> -> memref<1x25600xf32, #tpu.memory_space<hbm>>
      %dma_start3A_123 = tpu.memref_squeeze %dma_start3A_122 : memref<1x25600xf32, #tpu.memory_space<hbm>> -> memref<25600xf32, #tpu.memory_space<hbm>>
      %dma_start3A_124 = arith.constant 0 : i32
      %dma_start3A_125 = tpu.memref_slice %arg5[%add3A, %dma_start3A_124] : memref<32x25600xf32, #tpu.memory_space<hbm>> -> memref<1x25600xf32, #tpu.memory_space<hbm>>
      %dma_start3A_126 = tpu.memref_squeeze %dma_start3A_125 : memref<1x25600xf32, #tpu.memory_space<hbm>> -> memref<25600xf32, #tpu.memory_space<hbm>>
      tpu.enqueue_dma source(%arg8 : memref<25600xf32, #tpu.memory_space<vmem>>) target(%dma_start3A_126 : memref<25600xf32, #tpu.memory_space<hbm>>) target_semaphore(%run_scoped3A : memref<!tpu.dma_semaphore, #tpu.memory_space<semaphore_mem>>)
      %dma_wait3A = arith.constant 0 : i32
      %dma_wait3A_127 = tpu.memref_slice %arg5[%add3A, %dma_wait3A] : memref<32x25600xf32, #tpu.memory_space<hbm>> -> memref<1x25600xf32, #tpu.memory_space<hbm>>
      %dma_wait3A_128 = tpu.memref_squeeze %dma_wait3A_127 : memref<1x25600xf32, #tpu.memory_space<hbm>> -> memref<25600xf32, #tpu.memory_space<hbm>>
      %dma_wait3A_129 = arith.constant 0 : i32
      %dma_wait3A_130 = tpu.memref_slice %arg5[%add3A, %dma_wait3A_129] : memref<32x25600xf32, #tpu.memory_space<hbm>> -> memref<1x25600xf32, #tpu.memory_space<hbm>>
      %dma_wait3A_131 = tpu.memref_squeeze %dma_wait3A_130 : memref<1x25600xf32, #tpu.memory_space<hbm>> -> memref<25600xf32, #tpu.memory_space<hbm>>
      tpu.wait_dma2 semaphore(%run_scoped3A : memref<!tpu.dma_semaphore, #tpu.memory_space<semaphore_mem>>) src(%arg8 : memref<25600xf32, #tpu.memory_space<vmem>>) dst(%dma_wait3A_131 : memref<25600xf32, #tpu.memory_space<hbm>>)
      tpu.yield
    }) : () -> ()
    return
  }
}

</mosaic_0001>

<sc_bundles>
// kernel: kernel.3.cloned.1.call-start
scs
__scs_entry_jumppad:
0x0: {  	(pc) =	sbr.rel $0x88, $3  }
0x1: {  	(tag) =	ssettag $0x0;
	lr =	simm.s32 $0x1  }
0x2: {  	[smem:$0x3F9E] =	sst lr;
	_ =	strace $0xD0000000  }
0x3: {  	_ = 	snop  }
0x4: {  	_ = 	snop  }
0x5: {  	_ = 	snop  }
0x6: {  	_ = 	snop  }
0x7: {  	_ = 	snop  }
__scs_overlays_trampoline_lowered:
0x8: {  	[smem:$0x3FAD] =	sst s0  }
0x9: {  	[smem:$0x3FAE] =	sst s1  }
0xa: {  	[smem:$0x3FAF] =	sst s2  }
0xb: {  	[smem:$0x3FB0] =	sst s3  }
0xc: {  	[smem:$0x3FB1] =	sst s4  }
0xd: {  	[smem:$0x3FB2] =	sst s5  }
0xe: {  	[smem:$0x3FB3] =	sst s6  }
0xf: {  	[smem:$0x3FB4] =	sst s7  }
0x10: {  	[smem:$0x3FB5] =	sst s8  }
0x11: {  	[smem:$0x3FB6] =	sst s9;
	s0 =	simm.s32 @!p0 $0x0  }
0x12: {  	s1 =	sld [smem:$0x3F9C];
	s0 =	simm.s32 @p0 $0x1  }
0x13: {  	[smem:$0x3FB7] =	sst s0;
	s0 =	simm.s32 @!p1 $0x0  }
0x14: {  	s2 =	sld [smem:$0x3F9B];
	s0 =	simm.s32 @p1 $0x1  }
0x15: {  	[smem:$0x3FB8] =	sst s0;
	s0 =	simm.s32 @!p2 $0x0  }
0x16: {  	s3 =	sld [smem:$0x3FDB];
	s0 =	simm.s32 @p2 $0x1  }
0x17: {  	s4 =	simm.s32 $0x1BF5;
	[smem:$0x3FBA] =	sst s0  }
0x18: {  	s0 =	sld [smem:$0x3F9D];
	_ =	swait.ge [sflag:s4], $0x0  }
0x19: {  	s7 =	sld [smem:$0x3F9E]  }
0x1a: {  	s8 =	sadd.s32 $0xFFFFE003, lr  }
0x1b: {  	s9 =	sadd.s32 $0xFFFFFEF7, lr;
	s5 =	simm.s32 $0xFFFFFFFF;
	p2 =	slt.u32 s8, $0xFFFFF086  }
0x1c: {  	p1 =	slt.u32 s9, $0xF7A;
	s5 =	simm.s32 @!p2 $0x0  }
0x1d: {  	s5 =	simm.s32 @p1 $0x1;
	p0 =	seq.s32 s7, s2  }
0x1e: {  	s7 =	smul.u32 @!p0 $0xF7A, s2;
	p2 =	seq.s32 @!p0 s5, $0x0  }
0x1f: {  	s9 =	smul.u32 $0xF7A, s1;
	s8 =	simm.s32 @!p0 $0x1BF5;
	p2 =	por !p2, p0  }
0x20: {  	[sflag:s8] =	ssyncset.s32 @!p0 $0xFFFFF086;
	s6 =	sadd.s32 @!p0 s3, s7;
	s7 =	simm.s32 @!p0 $0x108  }
0x21: {  	s3 =	sadd.s32 s3, s9;
	s6 =	sadd.s32 @!p0 $0x88, s6;
	s7 =	simm.s32 @p2 $0x1082  }
0x22: {  	[simem:s7], [sflag:s8] =	dma.local @!p0 [hbm:s6], $0xF7A  }
0x23: {  	s9 =	sor.u32 $0xD0000000, s2;
	s6 =	simm.s32 $0x108;
	_ =	swait.ge @!p0 [sflag:s8], $0x0  }
0x24: {  	s3 =	sadd.s32 $0x88, s3;
	s6 =	simm.s32 @!p1 $0x1082;
	[sflag:s4] =	ssyncset.s32 $0xFFFFF086  }
0x25: {  	[simem:s6], [sflag:s4] =	dma.local [hbm:s3], $0xF7A  }
0x26: {  	[smem:$0x3F9E] =	sst s1;
	(tag) =	ssettag s2;
	_ =	strace s9  }
0x27: {  	s1 =	sld [smem:$0x3FAE]  }
0x28: {  	s2 =	sld [smem:$0x3FAF]  }
0x29: {  	s4 =	sld [smem:$0x3FB1]  }
0x2a: {  	p0 =	seq.s32 s5, $0x0;
	s5 =	sld [smem:$0x3FB2]  }
0x2b: {  	s6 =	sld [smem:$0x3FB3]  }
0x2c: {  	s7 =	sld [smem:$0x3FB4]  }
0x2d: {  	s3 =	simm.s32 $0x108;
	s8 =	sld [smem:$0x3FB5]  }
0x2e: {  	s3 =	simm.s32 @!p0 $0x1082;
	s9 =	sld [smem:$0x3FB6]  }
0x2f: {  	lr =	sadd.s32 s0, s3;
	s0 =	sld [smem:$0x3FAD]  }
0x30: {  	s3 =	sld [smem:$0x3FB0]  }
0x31: {  	[smem:$0x3FB9] =	sst s10  }
0x32: {  	s10 =	sld [smem:$0x3FB7];
	_ =	sdelay $0x3  }
0x33: {  	p0 =	seq.s32 s10, $0x1;
	s10 =	sld [smem:$0x3FB9];
	_ =	sdelay $0x3  }
0x34: {  	[smem:$0x3FB9] =	sst s10  }
0x35: {  	s10 =	sld [smem:$0x3FB8];
	_ =	sdelay $0x3  }
0x36: {  	p1 =	seq.s32 s10, $0x1;
	s10 =	sld [smem:$0x3FB9];
	_ =	sdelay $0x3  }
0x37: {  	[smem:$0x3FB9] =	sst s10  }
0x38: {  	s10 =	sld [smem:$0x3FBA]  }
0x39: {  	_ = 	snop;
	(pc) =	sbr.ind lr, $3  }
0x3a: {  	_ = 	snop  }
0x3b: {  	_ = 	snop  }
0x3c: {  	p2 =	seq.s32 s10, $0x1;
	s10 =	sld [smem:$0x3FB9]  }
0x3d: {  	_ =	shalt  }
0x3e: {  	_ =	shalt  }
0x3f: {  	_ =	shalt  }
0x40: {  	_ =	shalt  }
0x41: {  	_ =	shalt  }
0x42: {  	_ =	shalt  }
0x43: {  	_ =	shalt  }
0x44: {  	_ =	shalt  }
0x45: {  	_ =	shalt  }
0x46: {  	_ =	shalt  }
0x47: {  	_ =	shalt  }
0x48: {  	_ =	shalt  }
0x49: {  	_ =	shalt  }
0x4a: {  	_ =	shalt  }
0x4b: {  	_ =	shalt  }
0x4c: {  	_ =	shalt  }
0x4d: {  	_ =	shalt  }
0x4e: {  	_ =	shalt  }
0x4f: {  	_ =	shalt  }
0x50: {  	_ =	shalt  }
0x51: {  	_ =	shalt  }
0x52: {  	_ =	shalt  }
0x53: {  	_ =	shalt  }
0x54: {  	_ =	shalt  }
0x55: {  	_ =	shalt  }
0x56: {  	_ =	shalt  }
0x57: {  	_ =	shalt  }
0x58: {  	_ =	shalt  }
0x59: {  	_ =	shalt  }
0x5a: {  	_ =	shalt  }
0x5b: {  	_ =	shalt  }
0x5c: {  	_ =	shalt  }
0x5d: {  	_ =	shalt  }
0x5e: {  	_ =	shalt  }
0x5f: {  	_ =	shalt  }
0x60: {  	_ =	shalt  }
0x61: {  	_ =	shalt  }
0x62: {  	_ =	shalt  }
0x63: {  	_ =	shalt  }
0x64: {  	_ =	shalt  }
0x65: {  	_ =	shalt  }
0x66: {  	_ =	shalt  }
0x67: {  	_ =	shalt  }
0x68: {  	_ =	shalt  }
0x69: {  	_ =	shalt  }
0x6a: {  	_ =	shalt  }
0x6b: {  	_ =	shalt  }
0x6c: {  	_ =	shalt  }
0x6d: {  	_ =	shalt  }
0x6e: {  	_ =	shalt  }
0x6f: {  	_ =	shalt  }
0x70: {  	_ =	shalt  }
0x71: {  	_ =	shalt  }
0x72: {  	_ =	shalt  }
0x73: {  	_ =	shalt  }
0x74: {  	_ =	shalt  }
0x75: {  	_ =	shalt  }
0x76: {  	_ =	shalt  }
0x77: {  	_ =	shalt  }
0x78: {  	_ =	shalt  }
0x79: {  	_ =	shalt  }
0x7a: {  	_ =	shalt  }
0x7b: {  	_ =	shalt  }
0x7c: {  	_ =	shalt  }
0x7d: {  	_ =	shalt  }
0x7e: {  	_ =	shalt  }
0x7f: {  	_ =	shalt  }
0x80: {  	_ =	shalt  }
0x81: {  	_ =	shalt  }
0x82: {  	_ =	shalt  }
0x83: {  	_ =	shalt  }
0x84: {  	_ =	shalt  }
0x85: {  	_ =	shalt  }
0x86: {  	_ =	shalt  }
0x87: {  	_ =	shalt  }
.Lfunc_end0:
.L_simem_size_0:
called_computation_lowered:
.L_overlay_start_0:
0x88: {  	s2 =	sld [smem:$0x3FD9]  }
0x89: {  	s3 =	sld [smem:$0x3FFE];
	_ =	sdelay $0x1  }
0x8a: {  	s1 =	srdreg.scid  }
0x8b: {  	s0 =	sand.u32 $0x1, s1  }
0x8c: {  	s17 =	sshll.u32 s0, $0xA;
	s2 =	sadd.s32 s3, s2  }
0x8d: {  	s2 =	sadd.s32 s2, s17  }
0x8e: {  	[smem:$0x3FC5] =	sst s2  }
0x8f: {  	_ = 	snop  }
0x90: {  	s2 =	sld [smem:$0x3FD0];
	(tm) =	ssettm $0x1  }
0x91: {  	s18 =	sld [smem:$0x3FFB];
	_ =	sdelay $0x3  }
0x92: {  	_ =	strace s18  }
0x93: {  	s3 =	sld [smem:$0x3FFC];
	_ =	sdelay $0x3  }
0x94: {  	_ =	strace s3  }
0x95: {  	s3 =	sld [smem:$0x3FFD];
	_ =	sdelay $0x3  }
0x96: {  	_ =	strace s3  }
0x97: {  	_ =	strace $0x8FFFFFFF  }
0x98: {  	s19 =	sld [smem:$0x3FDB];
	_ =	sdelay $0x1  }
0x99: {  	s4 =	simm.s32 $_scs_section_size  }
0x9a: {  	s5 =	simm.s32 $_size__tile_overlayer_lowered;
	s6 =	simm.s32 $_tile_overlayer_lowered  }
0x9b: {  	s22 =	simm.s32 $0x1BFF;
	s21 =	sshll.u32 s6, $0x1;
	s3 =	sadd.s32 s4, s19  }
0x9c: {  	s7 =	simm.s32 $0x0;
	s20 =	sshll.u32 s5, $0x1;
	s5 =	sadd.s32 s21, s3  }
0x9d: {  	[timem:s7], [sflag:s22] =	dma.local [hbm:s5], s20  }
0x9e: {  	_ =	swait.ge [sflag:s22], s20  }
0x9f: {  	s4 =	ssub.s32 $0x0, s20;
	[sflag:s22] =	ssyncset.done $0x0  }
0xa0: {  	[sflag:s22] =	ssyncadd.s32 s4;
	_ =	sdelay $0x1  }
0xa1: {  	s23 =	simm.s32 $0x1B8B  }
0xa2: {  	_ =	swait.ge [sflag:s23], $0x1  }
0xa3: {  	[sflag:s23] =	ssyncset.done $0x0  }
0xa4: {  	s25 =	simm.s32 $0x1B8E;
	s24 =	sld [smem:$0x3FFE];
	[sflag:s23] =	ssyncadd.s32 $0xFFFFFFFF  }
0xa5: {  	s26 =	simm.s32 $execute0_lowered;
	[smem:$0x3FD2] =	sst s25  }
0xa6: {  	s5 =	sshll.u32 s26, $0x1;
	_ =	strace $0x80000046;
	[dreg:$0x1] =	wrdreg $0xFFFFFFFF  }
0xa7: {  	s28 =	simm.s32 $_size_execute0_lowered;
	s3 =	sadd.s32 s3, s5;
	[dreg:$0x0] =	wrdreg $0x0  }
0xa8: {  	s5 =	sshll.u32 s28, $0x1;
	[dreg:$0x2] =	wrdreg s3  }
0xa9: {  	[dreg:$0x3] =	wrdreg s5  }
0xaa: {  	[dreg:$0x4] =	wrdreg $0xC0  }
0xab: {  	_ =	task [dreg:s7], $0x5FFFF  }
0xac: {  	[dreg:$0x1] =	wrdreg $0xFFFFFFFF  }
0xad: {  	[dreg:$0x0] =	wrdreg $0x60  }
0xae: {  	[dreg:$0x2] =	wrdreg s24  }
0xaf: {  	[dreg:$0x3] =	wrdreg s2  }
0xb0: {  	[dreg:$0x4] =	wrdreg $0x9  }
0xb1: {  	_ =	task.clear_ibuf [dreg:s7], $0x5FFFF;
	_ =	strace $0x90000046  }
0xb2: {  	s29 =	simm.s32 $0x9;
	_ =	strace $0x80000048  }
0xb3: {  	_ =	swait.ge [sflag:s29], $0x1  }
0xb4: {  	[sflag:s29] =	ssyncadd.s32 $0xFFFFFFFF  }
0xb5: {  	_ =	strace $0x90000048  }
0xb6: {  	_ =	sfence  }
0xb7: {  	s30 =	sld [smem:$0x0];
	_ =	sdelay $0x2  }
0xb8: {  	s31 =	sshll.u32 s1, $0xD;
	s1 =	sshrl.u32 s1, $0x2  }
0xb9: {  	s3 =	sand.u32 $0x4000, s31;
	s1 =	sadd.s32 s1, s30  }
0xba: {  	s0 =	sor.u32 s3, s0;
	s1 =	sshll.u32 s1, $0x11  }
0xbb: {  	s0 =	sor.u32 s1, s0  }
0xbc: {  	s0 =	sadd.s32 $0x8F2B, s0  }
0xbd: {  	[sflag:s0] =	ssyncadd.remote.s32 $0x1  }
0xbe: {  	_ =	sfence.sel $0xFFFF  }
0xbf: {  	[dreg:$0x0] =	wrdreg $0xFFFFFFFF;
	(pc) =	sbr.abs _section_cstart, $3  }
0xc0: {  	[dreg:$0x1] =	wrdreg $0xFFFFFFFF  }
0xc1: {  	_ =	task.clear_ibuf [dreg:s7], $0x2FFFF;
	_ =	strace $0x9FFFFFFF  }
0xc2: {  	(tm) =	ssettm $0x7FFFFFFF  }
0xc3: {  	_ =	shalt  }
tec
execute0_lowered:
.L_overlay_start_1:
0x0: {  	(tag) =	ssettag $0x1  }
0x1: {  	s0 =	srdreg.scid;
	s1 =	rddreg [dreg:$0x0]  }
0x2: {  	s2 =	stileid.u32;
	s6 =	rddreg [dreg:$0x1];
	s10 =	simm.s32 $0x64  }
0x3: {  	s11 =	simm.s32 $0xF400;
	s15 =	simm.s32 $0x12600;
	s19 =	simm.s32 $0x15800  }
0x4: {  	s20 =	simm.s32 $0x208;
	s21 =	simm.s32 $0x17100;
	s22 =	simm.s32 $0x1  }
0x5: {  	s23 =	simm.s32 $0x18A00;
	s24 =	simm.s32 $0x1A300;
	s25 =	simm.s32 $0x2  }
0x6: {  	s26 =	simm.s32 $0x3;
	s0 =	sand.u32 $0x1, s0;
	s2 =	sshll.u32 s2, $0x1  }
0x7: {  	v0 =	vlaneseq.u32;
	s28 =	simm.s32 $0x4;
	s29 =	simm.s32 $0x9000;
	s4 =	sor.u32 s0, s2  }
0x8: {  	s30 =	simm.s32 $0x0;
	v1 =	vmul.u32 $0x40, v0;
	s2 =	simm.s32 $0x0;
	s3 =	smul.u32 $0xD00, s4  }
0x9: {  	v2 =	vor.u32 $0xFFFFFFC0, v0;
	s0 =	ssub.s32 $0x2, s0;
	[smem:$0x7FF] =	sst s2;
	s5 =	smul.u32 $0x500, s4  }
0xa: {  	s31 =	sshrl.u32 s0, $0x1;
	s8 =	smul.u32 $0xC80, s4;
	v3 =	vor.u32 $0x400, v1;
	v4 =	vor.u32 $0x800, v1;
	v5 =	vor.u32 $0xC00, v1;
	_ =	strace $0x80000047  }
0xb: {  	v6 =	vor.u32 $0x1000, v1;
	v7 =	vor.u32 $0x1400, v1;
	v8 =	vor.u32 $0x1800, v1;
	s0 =	ssub.s32 s0, s31;
	s7 =	sadd.s32 s3, s1;
	s5 =	sadd.s32 s5, s1  }
0xc: {  	v9 =	vor.u32 $0x1C00, v1;
	v10 =	vor.u32 $0x2000, v1;
	v11 =	vor.u32 $0x2400, v1;
	s3 =	sadd.s32 $0xF42C00, s1;
	s6 =	sadd.s32 s6, s8;
	s8 =	simm.s32 $0x5  }
0xd: {  	v12 =	vor.u32 $0x2800, v1;
	v13 =	vor.u32 $0x2C00, v1;
	v14 =	vadd.s32 $0x2E00, v1;
	s4 =	sadd.s32 $0x800, s7;
	s5 =	sadd.s32 $0x1A800, s5;
	s7 =	smax.u32 s0, $0x1  }
.LBB2_1:
0xe: {  	[tilespmem:s2], [sflag:$0x5] =	stream.linear.gather [hbm4b:s4+s2], $0x6800, $0x38;
	[tilespmem:$0x1BC00] =	vst v63  }
0xf: {  	_ =	swait.ge [sflag:s8], $0x6800  }
0x10: {  	[sflag:s8] =	ssyncset.done $0x0  }
0x11: {  	s0 =	simm.s32 $0x6800;
	[sflag:s8] =	ssyncadd.s32 $0xFFFF9800  }
0x12: {  	[tilespmem:s0], [sflag:$0x5] =	stream.linear.gather [hbm4b:s5+s2], $0x2800, $0x38;
	[tilespmem:$0x1BC00] =	vst v63  }
0x13: {  	_ =	swait.ge [sflag:s8], $0x2800  }
0x14: {  	[sflag:s8] =	ssyncset.done $0x0  }
0x15: {  	[sflag:s8] =	ssyncadd.s32 $0xFFFFD800  }
0x16: {  	[tilespmem:s11], [sflag:$0x1] =	stream.indirect.gather [hbm4b:s3+s10], $0x40, s2, s10, $0xb8;
	[tilespmem:$0x1BC00] =	vst v63  }
0x17: {  	s13 =	simm.s32 $0x68;
	s1 =	simm.s32 $0x10D00  }
0x18: {  	[tilespmem:s1], [sflag:$0x1] =	stream.indirect.gather [hbm4b:s3+s10], $0x40, s13, s10, $0xb8;
	[tilespmem:$0x1BC00] =	vst v63  }
0x19: {  	s14 =	simm.s32 $0xD0  }
0x1a: {  	[tilespmem:s15], [sflag:$0x2] =	stream.indirect.gather [hbm4b:s3+s10], $0x40, s14, s10, $0xb8;
	[tilespmem:$0x1BC00] =	vst v63  }
0x1b: {  	s16 =	simm.s32 $0x138;
	s17 =	simm.s32 $0x13F00  }
0x1c: {  	[tilespmem:s17], [sflag:$0x2] =	stream.indirect.gather [hbm4b:s3+s10], $0x40, s16, s10, $0xb8;
	[tilespmem:$0x1BC00] =	vst v63  }
0x1d: {  	s18 =	simm.s32 $0x1A0  }
0x1e: {  	[tilespmem:s19], [sflag:$0x3] =	stream.indirect.gather [hbm4b:s3+s10], $0x40, s18, s10, $0xb8;
	[tilespmem:$0x1BC00] =	vst v63  }
0x1f: {  	s31 =	simm.s32 $0x0  }
0x20: {  	[tilespmem:s21], [sflag:$0x3] =	stream.indirect.gather [hbm4b:s3+s10], $0x40, s20, s10, $0xb8;
	[tilespmem:$0x1BC00] =	vst v63  }
.LBB2_2:
0x21: {  	s1 =	sshllo.u32 s31, $0x2;
	s9 =	simm.s32 $0x0  }
0x22: {  	_ =	swait.ge [sflag:s22], $0x3200;
	s0 =	smul.u32 $0x340, s1;
	v15 =	vadd.s32 s9, v0  }
0x23: {  	[sflag:s22] =	ssyncset.done $0x0;
	v16 =	vadd.s32 s9, v2;
	vm0 =	vgt.u32 v15, $0x3F  }
0x24: {  	s12 =	smul.u32 $0x500, s31;
	[sflag:s22] =	ssyncadd.s32 $0xFFFFCE00;
	s0 =	sshra.s32 s0, $0x2;
	v16 =	vsel vm0, v16, v15  }
0x25: {  	[tilespmem:s23], [sflag:$0x4] =	stream.indirect.gather [hbm4b:s3+s10], $0x40, s0, s10, $0xb8;
	v15 =	vadd.s32 v14, v16;
	[tilespmem:$0x1BC00] =	vst v63  }
0x26: {  	s17 =	sshra.s32 s12, $0x2;
	s0 =	sadd.s32 $0x68, s0  }
0x27: {  	v18 =	vadd.s32 v1, v16;
	[tilespmem:s24], [sflag:$0x4] =	stream.indirect.gather [hbm4b:s3+s10], $0x40, s0, s10, $0xb8;
	[tilespmem:$0x1BC00] =	vst v63  }
0x28: {  	s18 =	sand.u32 $0x38, s9;
	v20 =	vadd.s32 v3, v16;
	s0 =	sadd.s32 $0x6800, s17  }
0x29: {  	s9 =	sand.u32 $0x7, s9;
	v21 =	vadd.s32 v4, v16;
	s12 =	sadd.s32 s18, s0  }
0x2a: {  	v29 =	vimm.f32 $0.0e+00;
	v27 =	vimm.f32 $0.0e+00;
	v22 =	vadd.s32 v5, v16;
	s9 =	sadd.s32 s9, s12;
	v19 =	vld.idx.msk [tilespmem:v15+s11+$0x0], $0xffff  }
0x2b: {  	v26 =	vimm.f32 $0.0e+00;
	v25 =	vimm.f32 $0.0e+00;
	v34 =	vadd.s32 v6, v16;
	v17 =	vld [tilespmem:s9+$0x0]  }
0x2c: {  	v24 =	vimm.f32 $0.0e+00;
	v23 =	vimm.f32 $0.0e+00;
	v39 =	vadd.s32 v7, v16;
	v40 =	vld.idx.msk [tilespmem:v18+s11+$0x0], $0xffff  }
0x2d: {  	v38 =	vadd.s32 v8, v16;
	v37 =	vadd.s32 v9, v16;
	v36 =	vadd.s32 v10, v16;
	v41 =	vld.idx.msk [tilespmem:v20+s11+$0x0], $0xffff  }
0x2e: {  	v33 =	vadd.s32 v11, v16;
	v31 =	vadd.s32 v12, v16;
	v30 =	vadd.s32 v13, v16;
	s12 =	simm.s32 $0x1;
	v32 =	vld.idx.msk [tilespmem:v21+s11+$0x0], $0xffff  }
0x2f: {  	v16 =	vimm.f32 $0.0e+00;
	v15 =	vimm.f32 $0.0e+00;
	v42 =	vadd.s32 s12, v0;
	v35 =	vld.idx.msk [tilespmem:v22+s11+$0x0], $0xffff  }
0x30: {  	v34 =	vld.idx.msk [tilespmem:v34+s11+$0x0], $0xffff;
	v22 =	vimm.f32 $0.0e+00;
	v21 =	vimm.f32 $0.0e+00;
	v28 =	vmul.f32 v19, v17  }
0x31: {  	s13 =	simm.s32 $0x2;
	s9 =	sshll.u32 s31, $0x2;
	v39 =	vld.idx.msk [tilespmem:v39+s11+$0x0], $0xffff;
	v20 =	vimm.f32 $0.0e+00;
	v18 =	vimm.f32 $0.0e+00;
	v19 =	vimm.f32 $0.0e+00  }
.LBB2_3:
0x32: {  	p0 =	sne.s32 s13, $0x3F;
	vm0 =	vgt.u32 v42, $0x3F;
	v43 =	vadd.s32 s12, v2;
	v44 =	vld.idx.msk [tilespmem:v38+s11+$0x0], $0xffff;
	v15 =	vadd.f32 v28, v15  }
0x33: {  	v40 =	vmul.f32 v40, v17;
	v41 =	vmul.f32 v41, v17;
	v28 =	vsel vm0, v43, v42;
	v42 =	vld.idx.msk [tilespmem:v37+s11+$0x0], $0xffff  }
0x34: {  	v43 =	vadd.s32 v1, v28;
	v45 =	vadd.s32 v3, v28;
	v46 =	vadd.s32 v14, v28;
	v47 =	vld.idx.msk [tilespmem:v36+s11+$0x0], $0xffff  }
0x35: {  	v48 =	vadd.s32 v4, v28;
	v49 =	vadd.s32 v5, v28;
	v50 =	vadd.s32 v6, v28;
	v51 =	vld.idx.msk [tilespmem:v33+s11+$0x0], $0xffff  }
0x36: {  	v52 =	vadd.s32 v7, v28;
	v38 =	vadd.s32 v8, v28;
	v37 =	vadd.s32 v9, v28;
	v53 =	vld.idx.msk [tilespmem:v31+s11+$0x0], $0xffff  }
0x37: {  	s14 =	sand.u32 $0x38, s12;
	v36 =	vadd.s32 v10, v28;
	v33 =	vadd.s32 v11, v28;
	v31 =	vadd.s32 v12, v28;
	v54 =	vld.idx.msk [tilespmem:v30+s11+$0x0], $0xffff  }
0x38: {  	s16 =	sand.u32 $0x7, s12;
	s12 =	smov.u32 s13;
	s14 =	sadd.s32 s14, s0;
	v30 =	vadd.s32 v13, v28;
	v28 =	vmul.f32 v32, v17;
	v32 =	vmul.f32 v35, v17  }
0x39: {  	s14 =	sadd.s32 s16, s14;
	v29 =	vadd.f32 v40, v29;
	v34 =	vmul.f32 v34, v17;
	v35 =	vmul.f32 v39, v17;
	v46 =	vld.idx.msk [tilespmem:v46+s11+$0x0], $0xffff  }
0x3a: {  	v27 =	vadd.f32 v41, v27;
	v39 =	vmul.f32 v44, v17;
	v42 =	vmul.f32 v42, v17;
	v55 =	vld [tilespmem:s14+$0x0]  }
0x3b: {  	v26 =	vadd.f32 v28, v26;
	v28 =	vmul.f32 v47, v17;
	v40 =	vld.idx.msk [tilespmem:v43+s11+$0x0], $0xffff;
	v43 =	vmul.f32 v51, v17  }
.Ltmp0:
0x3c: {  	v24 =	vadd.f32 v34, v24;
	v25 =	vadd.f32 v32, v25;
	v44 =	vmul.f32 v53, v17;
	v41 =	vld.idx.msk [tilespmem:v45+s11+$0x0], $0xffff;
	(pc) =	sbr.rel @p0 .LBB2_3-.Ltmp0, $4  }
0x3d: {  	v23 =	vadd.f32 v35, v23;
	v22 =	vadd.f32 v39, v22;
	v45 =	vmul.f32 v54, v17;
	v32 =	vld.idx.msk [tilespmem:v48+s11+$0x0], $0xffff  }
0x3e: {  	v21 =	vadd.f32 v42, v21;
	v19 =	vadd.f32 v28, v19;
	v35 =	vld.idx.msk [tilespmem:v49+s11+$0x0], $0xffff  }
0x3f: {  	v20 =	vadd.f32 v43, v20;
	v18 =	vadd.f32 v44, v18;
	v34 =	vld.idx.msk [tilespmem:v50+s11+$0x0], $0xffff;
	v28 =	vmul.f32 v46, v55  }
0x40: {  	s13 =	sadd.s32 $0x1, s13;
	v42 =	vadd.s32 s12, v0;
	v16 =	vadd.f32 v45, v16;
	v17 =	vmov v55;
	v39 =	vld.idx.msk [tilespmem:v52+s11+$0x0], $0xffff  }
0x41: {  	_ =	sdelay $0x3  }
0x42: {  	vm0 =	vgt.u32 v42, $0x3F;
	v43 =	vadd.s32 s12, v2;
	v38 =	vld.idx.msk [tilespmem:v38+s11+$0x0], $0xffff  }
0x43: {  	v37 =	vld.idx.msk [tilespmem:v37+s11+$0x0], $0xffff;
	v42 =	vsel vm0, v43, v42  }
0x44: {  	v36 =	vld.idx.msk [tilespmem:v36+s11+$0x0], $0xffff;
	v43 =	vadd.s32 v14, v42  }
0x45: {  	v33 =	vld.idx.msk [tilespmem:v33+s11+$0x0], $0xffff;
	s13 =	sand.u32 $0x38, s12;
	v44 =	vadd.s32 v1, v42  }
0x46: {  	v31 =	vld.idx.msk [tilespmem:v31+s11+$0x0], $0xffff;
	s14 =	sand.u32 $0x7, s12;
	s0 =	sadd.s32 s13, s0;
	v45 =	vadd.s32 v3, v42  }
0x47: {  	v30 =	vld.idx.msk [tilespmem:v30+s11+$0x0], $0xffff;
	v46 =	vadd.s32 v4, v42;
	s0 =	sadd.s32 s14, s0  }
0x48: {  	v47 =	vadd.s32 v5, v42;
	v49 =	vld [tilespmem:s0+$0x0]  }
0x49: {  	v48 =	vadd.s32 v6, v42;
	v43 =	vld.idx.msk [tilespmem:v43+s11+$0x0], $0xffff  }
0x4a: {  	v40 =	vmul.f32 v40, v17;
	v50 =	vadd.s32 v7, v42;
	v44 =	vld.idx.msk [tilespmem:v44+s11+$0x0], $0xffff  }
0x4b: {  	v51 =	vadd.s32 v8, v42;
	v52 =	vadd.s32 v9, v42;
	v53 =	vadd.s32 v10, v42;
	v45 =	vld.idx.msk [tilespmem:v45+s11+$0x0], $0xffff  }
0x4c: {  	v54 =	vadd.s32 v11, v42;
	v61 =	vadd.s32 v12, v42;
	v42 =	vadd.s32 v13, v42;
	v46 =	vld.idx.msk [tilespmem:v46+s11+$0x0], $0xffff  }
0x4d: {  	v41 =	vmul.f32 v41, v17;
	v47 =	vld.idx.msk [tilespmem:v47+s11+$0x0], $0xffff  }
0x4e: {  	v32 =	vmul.f32 v32, v17;
	v29 =	vadd.f32 v40, v29;
	v35 =	vmul.f32 v35, v17;
	v40 =	vld.idx.msk [tilespmem:v48+s11+$0x0], $0xffff  }
0x4f: {  	v27 =	vadd.f32 v41, v27;
	v34 =	vmul.f32 v34, v17;
	v39 =	vmul.f32 v39, v17;
	v50 =	vld.idx.msk [tilespmem:v50+s11+$0x0], $0xffff  }
0x50: {  	v26 =	vadd.f32 v32, v26;
	v38 =	vmul.f32 v38, v17;
	v37 =	vmul.f32 v37, v17;
	v62 =	vld.idx.msk [tilespmem:v52+s11+$0x0], $0xffff  }
0x51: {  	v25 =	vadd.f32 v35, v25;
	v63 =	vmul.f32 v36, v17;
	v59 =	vld.idx.msk [tilespmem:v42+s11+$0x0], $0xffff;
	v52 =	vmul.f32 v44, v49  }
0x52: {  	s16 =	smul.u32 $0xC80, s31;
	v33 =	vmul.f32 v33, v17;
	v24 =	vadd.f32 v34, v24;
	v51 =	vld.idx.msk [tilespmem:v51+s11+$0x0], $0xffff;
	v56 =	vmul.f32 v45, v49  }
0x53: {  	v31 =	vmul.f32 v31, v17;
	v55 =	vld.idx.msk [tilespmem:v53+s11+$0x0], $0xffff;
	v46 =	vmul.f32 v46, v49;
	v29 =	vadd.f32 v52, v29  }
0x54: {  	s0 =	sshra.s32 s16, $0x2;
	v17 =	vmul.f32 v30, v17;
	v57 =	vld.idx.msk [tilespmem:v54+s11+$0x0], $0xffff;
	v60 =	vmul.f32 v47, v49;
	v27 =	vadd.f32 v56, v27  }
0x55: {  	v58 =	vld.idx.msk [tilespmem:v61+s11+$0x0], $0xffff;
	v61 =	vmul.f32 v40, v49;
	v26 =	vadd.f32 v46, v26;
	[tilespmem:s0+$0x9000] =	vst v29  }
0x56: {  	v16 =	vadd.f32 v17, v16;
	v17 =	vmul.f32 v59, v49;
	v25 =	vadd.f32 v60, v25;
	[tilespmem:s0+$0x9010] =	vst v27  }
0x57: {  	v23 =	vadd.f32 v39, v23;
	v24 =	vadd.f32 v61, v24;
	v29 =	vmul.f32 v50, v49;
	[tilespmem:s0+$0x9020] =	vst v26  }
0x58: {  	v22 =	vadd.f32 v38, v22;
	v16 =	vadd.f32 v17, v16;
	v27 =	vmul.f32 v51, v49;
	[tilespmem:s0+$0x9030] =	vst v25  }
0x59: {  	v21 =	vadd.f32 v37, v21;
	v26 =	vmul.f32 v62, v49;
	[tilespmem:s0+$0x9040] =	vst v24;
	v23 =	vadd.f32 v29, v23  }
0x5a: {  	v19 =	vadd.f32 v63, v19;
	v25 =	vmul.f32 v55, v49;
	[tilespmem:s0+$0x90B0] =	vst v16;
	v22 =	vadd.f32 v27, v22  }
0x5b: {  	v20 =	vadd.f32 v33, v20;
	v24 =	vmul.f32 v57, v49;
	v21 =	vadd.f32 v26, v21;
	[tilespmem:s0+$0x9050] =	vst v23  }
0x5c: {  	v18 =	vadd.f32 v31, v18;
	v19 =	vadd.f32 v25, v19;
	v23 =	vmul.f32 v58, v49;
	[tilespmem:s0+$0x9060] =	vst v22  }
0x5d: {  	v15 =	vadd.f32 v28, v15;
	v20 =	vadd.f32 v24, v20;
	[tilespmem:s0+$0x9070] =	vst v21;
	v21 =	vmul.f32 v43, v49  }
0x5e: {  	[tilespmem:s0+$0x9080] =	vst v19;
	v18 =	vadd.f32 v23, v18  }
0x5f: {  	[tilespmem:s0+$0x9090] =	vst v20;
	v15 =	vadd.f32 v21, v15  }
0x60: {  	p0 =	seq.s32 s31, $0x1F;
	[tilespmem:s0+$0x90A0] =	vst v18  }
0x61: {  	[tilespmem:s0+$0x90B8] =	vst v15;
	s0 =	smul.u32 @!p0 $0xD00, s31  }
0x62: {  	s12 =	sor.u32 $0x1, s9;
	s14 =	simm.s32 $0x0;
	_ =	swait.ge [sflag:s25], $0x3200  }
0x63: {  	s17 =	simm.s32 @!p0 $0xF400;
	v15 =	vadd.s32 s14, v0;
	[sflag:s25] =	ssyncset.done $0x0;
	s0 =	sshra.s32 @!p0 s0, $0x2  }
0x64: {  	s16 =	simm.s32 @!p0 $0x64;
	v16 =	vadd.s32 s14, v2;
	vm15 =	vgt.u32 v15, $0x3F;
	[sflag:s25] =	ssyncadd.s32 $0xFFFFCE00;
	s13 =	sadd.s32 @!p0 $0x340, s0  }
0x65: {  	v16 =	vsel vm15, v16, v15;
	[tilespmem:s17], [sflag:$0x1] =	stream.indirect.gather @!p0 [hbm4b:s3+s16], $0x40, s13, s16, $0xb8;
	[tilespmem:$0x1BC00] =	vst v63  }
0x66: {  	s18 =	smul.u32 $0x140, s12;
	v15 =	vadd.s32 v14, v16;
	s13 =	sadd.s32 @!p0 $0x3A8, s0;
	s17 =	simm.s32 @!p0 $0x10D00  }
0x67: {  	[tilespmem:s17], [sflag:$0x1] =	stream.indirect.gather @!p0 [hbm4b:s3+s16], $0x40, s13, s16, $0xb8;
	[tilespmem:$0x1BC00] =	vst v63  }
0x68: {  	v18 =	vadd.s32 v1, v16;
	s17 =	sshra.s32 s18, $0x2  }
0x69: {  	v20 =	vadd.s32 v3, v16;
	s18 =	sand.u32 $0x38, s14;
	s13 =	sadd.s32 $0x6800, s17  }
0x6a: {  	v21 =	vadd.s32 v4, v16;
	s14 =	sand.u32 $0x7, s14;
	s16 =	sadd.s32 s18, s13  }
0x6b: {  	v29 =	vimm.f32 $0.0e+00;
	v27 =	vimm.f32 $0.0e+00;
	v22 =	vadd.s32 v5, v16;
	v19 =	vld.idx.msk [tilespmem:v15+s15+$0x0], $0xffff;
	s14 =	sadd.s32 s14, s16  }
0x6c: {  	v26 =	vimm.f32 $0.0e+00;
	v25 =	vimm.f32 $0.0e+00;
	v62 =	vadd.s32 v6, v16;
	v17 =	vld [tilespmem:s14+$0x0]  }
0x6d: {  	v24 =	vimm.f32 $0.0e+00;
	v23 =	vimm.f32 $0.0e+00;
	v63 =	vadd.s32 v7, v16;
	v40 =	vld.idx.msk [tilespmem:v18+s15+$0x0], $0xffff  }
0x6e: {  	v38 =	vadd.s32 v8, v16;
	v37 =	vadd.s32 v9, v16;
	v36 =	vadd.s32 v10, v16;
	v41 =	vld.idx.msk [tilespmem:v20+s15+$0x0], $0xffff  }
0x6f: {  	v33 =	vadd.s32 v11, v16;
	v31 =	vadd.s32 v12, v16;
	v30 =	vadd.s32 v13, v16;
	v32 =	vld.idx.msk [tilespmem:v21+s15+$0x0], $0xffff  }
0x70: {  	v16 =	vimm.f32 $0.0e+00;
	v15 =	vimm.f32 $0.0e+00;
	v35 =	vld.idx.msk [tilespmem:v22+s15+$0x0], $0xffff;
	v22 =	vimm.f32 $0.0e+00  }
0x71: {  	v34 =	vld.idx.msk [tilespmem:v62+s15+$0x0], $0xffff;
	v21 =	vimm.f32 $0.0e+00;
	v20 =	vimm.f32 $0.0e+00;
	s14 =	simm.s32 $0x1;
	v28 =	vmul.f32 v19, v17  }
0x72: {  	v39 =	vld.idx.msk [tilespmem:v63+s15+$0x0], $0xffff;
	v18 =	vimm.f32 $0.0e+00;
	s16 =	simm.s32 $0x2;
	v42 =	vadd.s32 s14, v0;
	v19 =	vimm.f32 $0.0e+00  }
.LBB2_5:
0x73: {  	p1 =	sne.s32 s16, $0x3F;
	vm0 =	vgt.u32 v42, $0x3F;
	v43 =	vadd.s32 s14, v2;
	v44 =	vld.idx.msk [tilespmem:v38+s15+$0x0], $0xffff;
	v15 =	vadd.f32 v28, v15  }
0x74: {  	v40 =	vmul.f32 v40, v17;
	v41 =	vmul.f32 v41, v17;
	v28 =	vsel vm0, v43, v42;
	v42 =	vld.idx.msk [tilespmem:v37+s15+$0x0], $0xffff  }
0x75: {  	v43 =	vadd.s32 v1, v28;
	v45 =	vadd.s32 v3, v28;
	v46 =	vadd.s32 v14, v28;
	v47 =	vld.idx.msk [tilespmem:v36+s15+$0x0], $0xffff  }
0x76: {  	v48 =	vadd.s32 v4, v28;
	v49 =	vadd.s32 v5, v28;
	v50 =	vadd.s32 v6, v28;
	v51 =	vld.idx.msk [tilespmem:v33+s15+$0x0], $0xffff  }
0x77: {  	v52 =	vadd.s32 v7, v28;
	v38 =	vadd.s32 v8, v28;
	v37 =	vadd.s32 v9, v28;
	v53 =	vld.idx.msk [tilespmem:v31+s15+$0x0], $0xffff  }
0x78: {  	s17 =	sand.u32 $0x38, s14;
	v36 =	vadd.s32 v10, v28;
	v33 =	vadd.s32 v11, v28;
	v31 =	vadd.s32 v12, v28;
	v54 =	vld.idx.msk [tilespmem:v30+s15+$0x0], $0xffff  }
0x79: {  	s18 =	sand.u32 $0x7, s14;
	s14 =	smov.u32 s16;
	s17 =	sadd.s32 s17, s13;
	v30 =	vadd.s32 v13, v28;
	v28 =	vmul.f32 v32, v17;
	v32 =	vmul.f32 v35, v17  }
0x7a: {  	s17 =	sadd.s32 s18, s17;
	v29 =	vadd.f32 v40, v29;
	v34 =	vmul.f32 v34, v17;
	v35 =	vmul.f32 v39, v17;
	v46 =	vld.idx.msk [tilespmem:v46+s15+$0x0], $0xffff  }
0x7b: {  	v27 =	vadd.f32 v41, v27;
	v39 =	vmul.f32 v44, v17;
	v42 =	vmul.f32 v42, v17;
	v55 =	vld [tilespmem:s17+$0x0]  }
0x7c: {  	v26 =	vadd.f32 v28, v26;
	v28 =	vmul.f32 v47, v17;
	v40 =	vld.idx.msk [tilespmem:v43+s15+$0x0], $0xffff;
	v43 =	vmul.f32 v51, v17  }
.Ltmp1:
0x7d: {  	v24 =	vadd.f32 v34, v24;
	v25 =	vadd.f32 v32, v25;
	v44 =	vmul.f32 v53, v17;
	v41 =	vld.idx.msk [tilespmem:v45+s15+$0x0], $0xffff;
	(pc) =	sbr.rel @p1 .LBB2_5-.Ltmp1, $4  }
0x7e: {  	v23 =	vadd.f32 v35, v23;
	v22 =	vadd.f32 v39, v22;
	v45 =	vmul.f32 v54, v17;
	v32 =	vld.idx.msk [tilespmem:v48+s15+$0x0], $0xffff  }
0x7f: {  	v21 =	vadd.f32 v42, v21;
	v20 =	vadd.f32 v28, v20;
	v35 =	vld.idx.msk [tilespmem:v49+s15+$0x0], $0xffff  }
0x80: {  	v19 =	vadd.f32 v43, v19;
	v18 =	vadd.f32 v44, v18;
	v34 =	vld.idx.msk [tilespmem:v50+s15+$0x0], $0xffff;
	v28 =	vmul.f32 v46, v55  }
0x81: {  	s16 =	sadd.s32 $0x1, s16;
	v42 =	vadd.s32 s14, v0;
	v16 =	vadd.f32 v45, v16;
	v17 =	vmov v55;
	v39 =	vld.idx.msk [tilespmem:v52+s15+$0x0], $0xffff  }
0x82: {  	_ =	sdelay $0x3  }
0x83: {  	vm0 =	vgt.u32 v42, $0x3F;
	v43 =	vadd.s32 s14, v2;
	v38 =	vld.idx.msk [tilespmem:v38+s15+$0x0], $0xffff  }
0x84: {  	v37 =	vld.idx.msk [tilespmem:v37+s15+$0x0], $0xffff;
	v42 =	vsel vm0, v43, v42  }
0x85: {  	v36 =	vld.idx.msk [tilespmem:v36+s15+$0x0], $0xffff;
	v43 =	vadd.s32 v14, v42  }
0x86: {  	v33 =	vld.idx.msk [tilespmem:v33+s15+$0x0], $0xffff;
	s16 =	sand.u32 $0x38, s14;
	v44 =	vadd.s32 v1, v42  }
0x87: {  	v31 =	vld.idx.msk [tilespmem:v31+s15+$0x0], $0xffff;
	s18 =	sand.u32 $0x7, s14;
	s13 =	sadd.s32 s16, s13;
	v45 =	vadd.s32 v3, v42  }
0x88: {  	v30 =	vld.idx.msk [tilespmem:v30+s15+$0x0], $0xffff;
	v46 =	vadd.s32 v4, v42;
	s13 =	sadd.s32 s18, s13  }
0x89: {  	v47 =	vadd.s32 v5, v42;
	v49 =	vld [tilespmem:s13+$0x0]  }
0x8a: {  	v48 =	vadd.s32 v6, v42;
	v43 =	vld.idx.msk [tilespmem:v43+s15+$0x0], $0xffff  }
0x8b: {  	v40 =	vmul.f32 v40, v17;
	v50 =	vadd.s32 v7, v42;
	v44 =	vld.idx.msk [tilespmem:v44+s15+$0x0], $0xffff  }
0x8c: {  	v51 =	vadd.s32 v8, v42;
	v52 =	vadd.s32 v9, v42;
	v53 =	vadd.s32 v10, v42;
	v45 =	vld.idx.msk [tilespmem:v45+s15+$0x0], $0xffff  }
0x8d: {  	v54 =	vadd.s32 v11, v42;
	v61 =	vadd.s32 v12, v42;
	v42 =	vadd.s32 v13, v42;
	v46 =	vld.idx.msk [tilespmem:v46+s15+$0x0], $0xffff  }
0x8e: {  	v41 =	vmul.f32 v41, v17;
	v47 =	vld.idx.msk [tilespmem:v47+s15+$0x0], $0xffff  }
0x8f: {  	v32 =	vmul.f32 v32, v17;
	v29 =	vadd.f32 v40, v29;
	v35 =	vmul.f32 v35, v17;
	v40 =	vld.idx.msk [tilespmem:v48+s15+$0x0], $0xffff  }
0x90: {  	v27 =	vadd.f32 v41, v27;
	v34 =	vmul.f32 v34, v17;
	v39 =	vmul.f32 v39, v17;
	v50 =	vld.idx.msk [tilespmem:v50+s15+$0x0], $0xffff  }
0x91: {  	v26 =	vadd.f32 v32, v26;
	v38 =	vmul.f32 v38, v17;
	v37 =	vmul.f32 v37, v17;
	v62 =	vld.idx.msk [tilespmem:v52+s15+$0x0], $0xffff  }
0x92: {  	v25 =	vadd.f32 v35, v25;
	v63 =	vmul.f32 v36, v17;
	v59 =	vld.idx.msk [tilespmem:v42+s15+$0x0], $0xffff;
	v52 =	vmul.f32 v44, v49  }
0x93: {  	s12 =	smul.u32 $0x320, s12;
	v33 =	vmul.f32 v33, v17;
	v24 =	vadd.f32 v34, v24;
	v51 =	vld.idx.msk [tilespmem:v51+s15+$0x0], $0xffff;
	v56 =	vmul.f32 v45, v49  }
0x94: {  	v31 =	vmul.f32 v31, v17;
	v55 =	vld.idx.msk [tilespmem:v53+s15+$0x0], $0xffff;
	v46 =	vmul.f32 v46, v49;
	v29 =	vadd.f32 v52, v29  }
0x95: {  	s12 =	sshra.s32 s12, $0x2;
	v17 =	vmul.f32 v30, v17;
	v57 =	vld.idx.msk [tilespmem:v54+s15+$0x0], $0xffff;
	v60 =	vmul.f32 v47, v49;
	v27 =	vadd.f32 v56, v27  }
0x96: {  	v58 =	vld.idx.msk [tilespmem:v61+s15+$0x0], $0xffff;
	v61 =	vmul.f32 v40, v49;
	v26 =	vadd.f32 v46, v26;
	[tilespmem:s12+$0x9000] =	vst v29  }
0x97: {  	v16 =	vadd.f32 v17, v16;
	v17 =	vmul.f32 v59, v49;
	v25 =	vadd.f32 v60, v25;
	[tilespmem:s12+$0x9010] =	vst v27  }
0x98: {  	v23 =	vadd.f32 v39, v23;
	v24 =	vadd.f32 v61, v24;
	v29 =	vmul.f32 v50, v49;
	[tilespmem:s12+$0x9020] =	vst v26  }
0x99: {  	v22 =	vadd.f32 v38, v22;
	v16 =	vadd.f32 v17, v16;
	v27 =	vmul.f32 v51, v49;
	[tilespmem:s12+$0x9030] =	vst v25  }
0x9a: {  	v21 =	vadd.f32 v37, v21;
	v26 =	vmul.f32 v62, v49;
	[tilespmem:s12+$0x9040] =	vst v24;
	v23 =	vadd.f32 v29, v23  }
0x9b: {  	v20 =	vadd.f32 v63, v20;
	v25 =	vmul.f32 v55, v49;
	[tilespmem:s12+$0x90B0] =	vst v16;
	v22 =	vadd.f32 v27, v22  }
0x9c: {  	v19 =	vadd.f32 v33, v19;
	v24 =	vmul.f32 v57, v49;
	v21 =	vadd.f32 v26, v21;
	[tilespmem:s12+$0x9050] =	vst v23  }
0x9d: {  	v18 =	vadd.f32 v31, v18;
	v20 =	vadd.f32 v25, v20;
	v23 =	vmul.f32 v58, v49;
	[tilespmem:s12+$0x9060] =	vst v22  }
0x9e: {  	v15 =	vadd.f32 v28, v15;
	v19 =	vadd.f32 v24, v19;
	[tilespmem:s12+$0x9070] =	vst v21;
	v21 =	vmul.f32 v43, v49  }
0x9f: {  	[tilespmem:s12+$0x9080] =	vst v20;
	v18 =	vadd.f32 v23, v18  }
0xa0: {  	[tilespmem:s12+$0x9090] =	vst v19;
	v15 =	vadd.f32 v21, v15  }
0xa1: {  	[tilespmem:s12+$0x90A0] =	vst v18  }
0xa2: {  	s13 =	simm.s32 $0x0;
	[tilespmem:s12+$0x90B8] =	vst v15  }
0xa3: {  	s9 =	sor.u32 $0x2, s9;
	v15 =	vadd.s32 s13, v0;
	_ =	swait.ge [sflag:s26], $0x3200  }
0xa4: {  	s14 =	simm.s32 @!p0 $0x64;
	s16 =	simm.s32 @!p0 $0x12600;
	v16 =	vadd.s32 s13, v2;
	vm15 =	vgt.u32 v15, $0x3F;
	[sflag:s26] =	ssyncset.done $0x0  }
0xa5: {  	s17 =	smul.u32 $0x140, s9;
	s12 =	sadd.s32 @!p0 $0x410, s0;
	v16 =	vsel vm15, v16, v15;
	[sflag:s26] =	ssyncadd.s32 $0xFFFFCE00  }
0xa6: {  	v15 =	vadd.s32 v14, v16;
	[tilespmem:s16], [sflag:$0x2] =	stream.indirect.gather @!p0 [hbm4b:s3+s14], $0x40, s12, s14, $0xb8;
	[tilespmem:$0x1BC00] =	vst v63  }
0xa7: {  	s17 =	sshra.s32 s17, $0x2;
	s12 =	sadd.s32 @!p0 $0x478, s0;
	s16 =	simm.s32 @!p0 $0x13F00  }
0xa8: {  	v18 =	vadd.s32 v1, v16;
	[tilespmem:s16], [sflag:$0x2] =	stream.indirect.gather @!p0 [hbm4b:s3+s14], $0x40, s12, s14, $0xb8;
	[tilespmem:$0x1BC00] =	vst v63  }
0xa9: {  	s18 =	sand.u32 $0x38, s13;
	v20 =	vadd.s32 v3, v16;
	s12 =	sadd.s32 $0x6800, s17  }
0xaa: {  	s13 =	sand.u32 $0x7, s13;
	v21 =	vadd.s32 v4, v16;
	s14 =	sadd.s32 s18, s12  }
0xab: {  	v29 =	vimm.f32 $0.0e+00;
	v27 =	vimm.f32 $0.0e+00;
	v22 =	vadd.s32 v5, v16;
	s13 =	sadd.s32 s13, s14;
	v19 =	vld.idx.msk [tilespmem:v15+s19+$0x0], $0xffff  }
0xac: {  	v26 =	vimm.f32 $0.0e+00;
	v25 =	vimm.f32 $0.0e+00;
	v62 =	vadd.s32 v6, v16;
	v17 =	vld [tilespmem:s13+$0x0]  }
0xad: {  	v24 =	vimm.f32 $0.0e+00;
	v23 =	vimm.f32 $0.0e+00;
	v63 =	vadd.s32 v7, v16;
	v40 =	vld.idx.msk [tilespmem:v18+s19+$0x0], $0xffff  }
0xae: {  	v38 =	vadd.s32 v8, v16;
	v37 =	vadd.s32 v9, v16;
	v36 =	vadd.s32 v10, v16;
	v41 =	vld.idx.msk [tilespmem:v20+s19+$0x0], $0xffff  }
0xaf: {  	v33 =	vadd.s32 v11, v16;
	v31 =	vadd.s32 v12, v16;
	v30 =	vadd.s32 v13, v16;
	v32 =	vld.idx.msk [tilespmem:v21+s19+$0x0], $0xffff  }
0xb0: {  	v16 =	vimm.f32 $0.0e+00;
	v15 =	vimm.f32 $0.0e+00;
	v35 =	vld.idx.msk [tilespmem:v22+s19+$0x0], $0xffff;
	v22 =	vimm.f32 $0.0e+00  }
0xb1: {  	v34 =	vld.idx.msk [tilespmem:v62+s19+$0x0], $0xffff;
	v21 =	vimm.f32 $0.0e+00;
	v20 =	vimm.f32 $0.0e+00;
	s13 =	simm.s32 $0x1;
	v28 =	vmul.f32 v19, v17  }
0xb2: {  	s14 =	simm.s32 $0x2;
	v39 =	vld.idx.msk [tilespmem:v63+s19+$0x0], $0xffff;
	v18 =	vimm.f32 $0.0e+00;
	v42 =	vadd.s32 s13, v0;
	v19 =	vimm.f32 $0.0e+00  }
.LBB2_7:
0xb3: {  	p1 =	sne.s32 s14, $0x3F;
	vm0 =	vgt.u32 v42, $0x3F;
	v43 =	vadd.s32 s13, v2;
	v44 =	vld.idx.msk [tilespmem:v38+s19+$0x0], $0xffff;
	v15 =	vadd.f32 v28, v15  }
0xb4: {  	v40 =	vmul.f32 v40, v17;
	v41 =	vmul.f32 v41, v17;
	v28 =	vsel vm0, v43, v42;
	v42 =	vld.idx.msk [tilespmem:v37+s19+$0x0], $0xffff  }
0xb5: {  	v43 =	vadd.s32 v1, v28;
	v45 =	vadd.s32 v3, v28;
	v46 =	vadd.s32 v14, v28;
	v47 =	vld.idx.msk [tilespmem:v36+s19+$0x0], $0xffff  }
0xb6: {  	v48 =	vadd.s32 v4, v28;
	v49 =	vadd.s32 v5, v28;
	v50 =	vadd.s32 v6, v28;
	v51 =	vld.idx.msk [tilespmem:v33+s19+$0x0], $0xffff  }
0xb7: {  	v52 =	vadd.s32 v7, v28;
	v38 =	vadd.s32 v8, v28;
	v37 =	vadd.s32 v9, v28;
	v53 =	vld.idx.msk [tilespmem:v31+s19+$0x0], $0xffff  }
0xb8: {  	s16 =	sand.u32 $0x38, s13;
	v36 =	vadd.s32 v10, v28;
	v33 =	vadd.s32 v11, v28;
	v31 =	vadd.s32 v12, v28;
	v54 =	vld.idx.msk [tilespmem:v30+s19+$0x0], $0xffff  }
0xb9: {  	s17 =	sand.u32 $0x7, s13;
	s13 =	smov.u32 s14;
	s16 =	sadd.s32 s16, s12;
	v30 =	vadd.s32 v13, v28;
	v28 =	vmul.f32 v32, v17;
	v32 =	vmul.f32 v35, v17  }
0xba: {  	s16 =	sadd.s32 s17, s16;
	v29 =	vadd.f32 v40, v29;
	v34 =	vmul.f32 v34, v17;
	v35 =	vmul.f32 v39, v17;
	v46 =	vld.idx.msk [tilespmem:v46+s19+$0x0], $0xffff  }
0xbb: {  	v27 =	vadd.f32 v41, v27;
	v39 =	vmul.f32 v44, v17;
	v42 =	vmul.f32 v42, v17;
	v55 =	vld [tilespmem:s16+$0x0]  }
0xbc: {  	v26 =	vadd.f32 v28, v26;
	v28 =	vmul.f32 v47, v17;
	v40 =	vld.idx.msk [tilespmem:v43+s19+$0x0], $0xffff;
	v43 =	vmul.f32 v51, v17  }
.Ltmp2:
0xbd: {  	v24 =	vadd.f32 v34, v24;
	v25 =	vadd.f32 v32, v25;
	v44 =	vmul.f32 v53, v17;
	v41 =	vld.idx.msk [tilespmem:v45+s19+$0x0], $0xffff;
	(pc) =	sbr.rel @p1 .LBB2_7-.Ltmp2, $4  }
0xbe: {  	v23 =	vadd.f32 v35, v23;
	v22 =	vadd.f32 v39, v22;
	v45 =	vmul.f32 v54, v17;
	v32 =	vld.idx.msk [tilespmem:v48+s19+$0x0], $0xffff  }
0xbf: {  	v21 =	vadd.f32 v42, v21;
	v20 =	vadd.f32 v28, v20;
	v35 =	vld.idx.msk [tilespmem:v49+s19+$0x0], $0xffff  }
0xc0: {  	v19 =	vadd.f32 v43, v19;
	v18 =	vadd.f32 v44, v18;
	v34 =	vld.idx.msk [tilespmem:v50+s19+$0x0], $0xffff;
	v28 =	vmul.f32 v46, v55  }
0xc1: {  	s14 =	sadd.s32 $0x1, s14;
	v42 =	vadd.s32 s13, v0;
	v16 =	vadd.f32 v45, v16;
	v17 =	vmov v55;
	v39 =	vld.idx.msk [tilespmem:v52+s19+$0x0], $0xffff  }
0xc2: {  	_ =	sdelay $0x3  }
0xc3: {  	vm0 =	vgt.u32 v42, $0x3F;
	v43 =	vadd.s32 s13, v2;
	v38 =	vld.idx.msk [tilespmem:v38+s19+$0x0], $0xffff  }
0xc4: {  	v37 =	vld.idx.msk [tilespmem:v37+s19+$0x0], $0xffff;
	v42 =	vsel vm0, v43, v42  }
0xc5: {  	v36 =	vld.idx.msk [tilespmem:v36+s19+$0x0], $0xffff;
	v43 =	vadd.s32 v14, v42  }
0xc6: {  	v33 =	vld.idx.msk [tilespmem:v33+s19+$0x0], $0xffff;
	s14 =	sand.u32 $0x38, s13;
	v44 =	vadd.s32 v1, v42  }
0xc7: {  	v31 =	vld.idx.msk [tilespmem:v31+s19+$0x0], $0xffff;
	s18 =	sand.u32 $0x7, s13;
	s12 =	sadd.s32 s14, s12;
	v45 =	vadd.s32 v3, v42  }
0xc8: {  	v30 =	vld.idx.msk [tilespmem:v30+s19+$0x0], $0xffff;
	v46 =	vadd.s32 v4, v42;
	s12 =	sadd.s32 s18, s12  }
0xc9: {  	v47 =	vadd.s32 v5, v42;
	v49 =	vld [tilespmem:s12+$0x0]  }
0xca: {  	v48 =	vadd.s32 v6, v42;
	v43 =	vld.idx.msk [tilespmem:v43+s19+$0x0], $0xffff  }
0xcb: {  	v40 =	vmul.f32 v40, v17;
	v50 =	vadd.s32 v7, v42;
	v44 =	vld.idx.msk [tilespmem:v44+s19+$0x0], $0xffff  }
0xcc: {  	v51 =	vadd.s32 v8, v42;
	v52 =	vadd.s32 v9, v42;
	v53 =	vadd.s32 v10, v42;
	v45 =	vld.idx.msk [tilespmem:v45+s19+$0x0], $0xffff  }
0xcd: {  	v54 =	vadd.s32 v11, v42;
	v61 =	vadd.s32 v12, v42;
	v42 =	vadd.s32 v13, v42;
	v46 =	vld.idx.msk [tilespmem:v46+s19+$0x0], $0xffff  }
0xce: {  	v41 =	vmul.f32 v41, v17;
	v47 =	vld.idx.msk [tilespmem:v47+s19+$0x0], $0xffff  }
0xcf: {  	v32 =	vmul.f32 v32, v17;
	v29 =	vadd.f32 v40, v29;
	v35 =	vmul.f32 v35, v17;
	v40 =	vld.idx.msk [tilespmem:v48+s19+$0x0], $0xffff  }
0xd0: {  	v27 =	vadd.f32 v41, v27;
	v34 =	vmul.f32 v34, v17;
	v39 =	vmul.f32 v39, v17;
	v50 =	vld.idx.msk [tilespmem:v50+s19+$0x0], $0xffff  }
0xd1: {  	v26 =	vadd.f32 v32, v26;
	v38 =	vmul.f32 v38, v17;
	v37 =	vmul.f32 v37, v17;
	v62 =	vld.idx.msk [tilespmem:v52+s19+$0x0], $0xffff  }
0xd2: {  	v25 =	vadd.f32 v35, v25;
	v63 =	vmul.f32 v36, v17;
	v59 =	vld.idx.msk [tilespmem:v42+s19+$0x0], $0xffff;
	v52 =	vmul.f32 v44, v49  }
0xd3: {  	s9 =	smul.u32 $0x320, s9;
	v33 =	vmul.f32 v33, v17;
	v24 =	vadd.f32 v34, v24;
	v51 =	vld.idx.msk [tilespmem:v51+s19+$0x0], $0xffff;
	v56 =	vmul.f32 v45, v49  }
0xd4: {  	v31 =	vmul.f32 v31, v17;
	v55 =	vld.idx.msk [tilespmem:v53+s19+$0x0], $0xffff;
	v46 =	vmul.f32 v46, v49;
	v29 =	vadd.f32 v52, v29  }
0xd5: {  	s9 =	sshra.s32 s9, $0x2;
	v17 =	vmul.f32 v30, v17;
	v57 =	vld.idx.msk [tilespmem:v54+s19+$0x0], $0xffff;
	v60 =	vmul.f32 v47, v49;
	v27 =	vadd.f32 v56, v27  }
0xd6: {  	v58 =	vld.idx.msk [tilespmem:v61+s19+$0x0], $0xffff;
	v61 =	vmul.f32 v40, v49;
	v26 =	vadd.f32 v46, v26;
	[tilespmem:s9+$0x9000] =	vst v29  }
0xd7: {  	v16 =	vadd.f32 v17, v16;
	v17 =	vmul.f32 v59, v49;
	v25 =	vadd.f32 v60, v25;
	[tilespmem:s9+$0x9010] =	vst v27  }
0xd8: {  	v23 =	vadd.f32 v39, v23;
	v24 =	vadd.f32 v61, v24;
	v29 =	vmul.f32 v50, v49;
	[tilespmem:s9+$0x9020] =	vst v26  }
0xd9: {  	v22 =	vadd.f32 v38, v22;
	v16 =	vadd.f32 v17, v16;
	v27 =	vmul.f32 v51, v49;
	[tilespmem:s9+$0x9030] =	vst v25  }
0xda: {  	v21 =	vadd.f32 v37, v21;
	v26 =	vmul.f32 v62, v49;
	[tilespmem:s9+$0x9040] =	vst v24;
	v23 =	vadd.f32 v29, v23  }
0xdb: {  	v20 =	vadd.f32 v63, v20;
	v25 =	vmul.f32 v55, v49;
	[tilespmem:s9+$0x90B0] =	vst v16;
	v22 =	vadd.f32 v27, v22  }
0xdc: {  	v19 =	vadd.f32 v33, v19;
	v24 =	vmul.f32 v57, v49;
	v21 =	vadd.f32 v26, v21;
	[tilespmem:s9+$0x9050] =	vst v23  }
0xdd: {  	v18 =	vadd.f32 v31, v18;
	v20 =	vadd.f32 v25, v20;
	v23 =	vmul.f32 v58, v49;
	[tilespmem:s9+$0x9060] =	vst v22  }
0xde: {  	v15 =	vadd.f32 v28, v15;
	v19 =	vadd.f32 v24, v19;
	[tilespmem:s9+$0x9070] =	vst v21;
	v21 =	vmul.f32 v43, v49  }
0xdf: {  	[tilespmem:s9+$0x9080] =	vst v20;
	v18 =	vadd.f32 v23, v18  }
0xe0: {  	[tilespmem:s9+$0x9090] =	vst v19;
	v15 =	vadd.f32 v21, v15  }
0xe1: {  	[tilespmem:s9+$0x90A0] =	vst v18  }
0xe2: {  	[tilespmem:s9+$0x90B8] =	vst v15;
	s9 =	simm.s32 $0x0  }
0xe3: {  	_ =	swait.ge [sflag:s28], $0x3200;
	v15 =	vadd.s32 s9, v0  }
0xe4: {  	s13 =	simm.s32 @!p0 $0x64;
	s16 =	smul.u32 $0x140, s1;
	v16 =	vadd.s32 s9, v2;
	[sflag:s28] =	ssyncset.done $0x0;
	vm15 =	vgt.u32 v15, $0x3F  }
0xe5: {  	s14 =	simm.s32 @!p0 $0x15800;
	s12 =	sadd.s32 @!p0 $0x4E0, s0;
	[sflag:s28] =	ssyncadd.s32 $0xFFFFCE00;
	v16 =	vsel vm15, v16, v15  }
0xe6: {  	[tilespmem:s14], [sflag:$0x3] =	stream.indirect.gather @!p0 [hbm4b:s3+s13], $0x40, s12, s13, $0xb8;
	v15 =	vadd.s32 v14, v16;
	[tilespmem:$0x1BC00] =	vst v63  }
0xe7: {  	s17 =	sshra.s32 s16, $0x2;
	s0 =	sadd.s32 @!p0 $0x548, s0;
	s12 =	simm.s32 @!p0 $0x17100  }
0xe8: {  	v18 =	vadd.s32 v1, v16;
	[tilespmem:s12], [sflag:$0x3] =	stream.indirect.gather @!p0 [hbm4b:s3+s13], $0x40, s0, s13, $0xb8;
	[tilespmem:$0x1BC00] =	vst v63  }
0xe9: {  	s18 =	sand.u32 $0x38, s9;
	v20 =	vadd.s32 v3, v16;
	s0 =	sadd.s32 $0x6800, s17  }
0xea: {  	s9 =	sand.u32 $0x7, s9;
	v21 =	vadd.s32 v4, v16;
	s12 =	sadd.s32 s18, s0  }
0xeb: {  	v29 =	vimm.f32 $0.0e+00;
	v27 =	vimm.f32 $0.0e+00;
	v22 =	vadd.s32 v5, v16;
	s9 =	sadd.s32 s9, s12;
	v19 =	vld.idx.msk [tilespmem:v15+s23+$0x0], $0xffff  }
0xec: {  	v26 =	vimm.f32 $0.0e+00;
	v25 =	vimm.f32 $0.0e+00;
	v62 =	vadd.s32 v6, v16;
	v17 =	vld [tilespmem:s9+$0x0]  }
0xed: {  	v24 =	vimm.f32 $0.0e+00;
	v23 =	vimm.f32 $0.0e+00;
	v63 =	vadd.s32 v7, v16;
	v40 =	vld.idx.msk [tilespmem:v18+s23+$0x0], $0xffff  }
0xee: {  	v38 =	vadd.s32 v8, v16;
	v37 =	vadd.s32 v9, v16;
	v36 =	vadd.s32 v10, v16;
	v41 =	vld.idx.msk [tilespmem:v20+s23+$0x0], $0xffff  }
0xef: {  	v33 =	vadd.s32 v11, v16;
	v31 =	vadd.s32 v12, v16;
	v30 =	vadd.s32 v13, v16;
	v32 =	vld.idx.msk [tilespmem:v21+s23+$0x0], $0xffff  }
0xf0: {  	v16 =	vimm.f32 $0.0e+00;
	v15 =	vimm.f32 $0.0e+00;
	v35 =	vld.idx.msk [tilespmem:v22+s23+$0x0], $0xffff;
	v22 =	vimm.f32 $0.0e+00  }
0xf1: {  	s9 =	simm.s32 $0x1;
	v34 =	vld.idx.msk [tilespmem:v62+s23+$0x0], $0xffff;
	v21 =	vimm.f32 $0.0e+00;
	v20 =	vimm.f32 $0.0e+00;
	v28 =	vmul.f32 v19, v17  }
0xf2: {  	s12 =	simm.s32 $0x2;
	v39 =	vld.idx.msk [tilespmem:v63+s23+$0x0], $0xffff;
	v18 =	vimm.f32 $0.0e+00;
	v42 =	vadd.s32 s9, v0;
	v19 =	vimm.f32 $0.0e+00  }
.LBB2_9:
0xf3: {  	p0 =	sne.s32 s12, $0x3F;
	vm0 =	vgt.u32 v42, $0x3F;
	v43 =	vadd.s32 s9, v2;
	v44 =	vld.idx.msk [tilespmem:v38+s23+$0x0], $0xffff;
	v15 =	vadd.f32 v28, v15  }
0xf4: {  	v40 =	vmul.f32 v40, v17;
	v41 =	vmul.f32 v41, v17;
	v28 =	vsel vm0, v43, v42;
	v42 =	vld.idx.msk [tilespmem:v37+s23+$0x0], $0xffff  }
0xf5: {  	v43 =	vadd.s32 v1, v28;
	v45 =	vadd.s32 v3, v28;
	v46 =	vadd.s32 v14, v28;
	v47 =	vld.idx.msk [tilespmem:v36+s23+$0x0], $0xffff  }
0xf6: {  	v48 =	vadd.s32 v4, v28;
	v49 =	vadd.s32 v5, v28;
	v50 =	vadd.s32 v6, v28;
	v51 =	vld.idx.msk [tilespmem:v33+s23+$0x0], $0xffff  }
0xf7: {  	v52 =	vadd.s32 v7, v28;
	v38 =	vadd.s32 v8, v28;
	v37 =	vadd.s32 v9, v28;
	v53 =	vld.idx.msk [tilespmem:v31+s23+$0x0], $0xffff  }
0xf8: {  	s13 =	sand.u32 $0x38, s9;
	v36 =	vadd.s32 v10, v28;
	v33 =	vadd.s32 v11, v28;
	v31 =	vadd.s32 v12, v28;
	v54 =	vld.idx.msk [tilespmem:v30+s23+$0x0], $0xffff  }
0xf9: {  	s14 =	sand.u32 $0x7, s9;
	s9 =	smov.u32 s12;
	s13 =	sadd.s32 s13, s0;
	v30 =	vadd.s32 v13, v28;
	v28 =	vmul.f32 v32, v17;
	v32 =	vmul.f32 v35, v17  }
0xfa: {  	s13 =	sadd.s32 s14, s13;
	v29 =	vadd.f32 v40, v29;
	v34 =	vmul.f32 v34, v17;
	v35 =	vmul.f32 v39, v17;
	v46 =	vld.idx.msk [tilespmem:v46+s23+$0x0], $0xffff  }
0xfb: {  	v27 =	vadd.f32 v41, v27;
	v39 =	vmul.f32 v44, v17;
	v42 =	vmul.f32 v42, v17;
	v55 =	vld [tilespmem:s13+$0x0]  }
0xfc: {  	v26 =	vadd.f32 v28, v26;
	v28 =	vmul.f32 v47, v17;
	v40 =	vld.idx.msk [tilespmem:v43+s23+$0x0], $0xffff;
	v43 =	vmul.f32 v51, v17  }
.Ltmp3:
0xfd: {  	v24 =	vadd.f32 v34, v24;
	v25 =	vadd.f32 v32, v25;
	v44 =	vmul.f32 v53, v17;
	v41 =	vld.idx.msk [tilespmem:v45+s23+$0x0], $0xffff;
	(pc) =	sbr.rel @p0 .LBB2_9-.Ltmp3, $4  }
0xfe: {  	v23 =	vadd.f32 v35, v23;
	v22 =	vadd.f32 v39, v22;
	v45 =	vmul.f32 v54, v17;
	v32 =	vld.idx.msk [tilespmem:v48+s23+$0x0], $0xffff  }
0xff: {  	v21 =	vadd.f32 v42, v21;
	v20 =	vadd.f32 v28, v20;
	v35 =	vld.idx.msk [tilespmem:v49+s23+$0x0], $0xffff  }
0x100: {  	v19 =	vadd.f32 v43, v19;
	v18 =	vadd.f32 v44, v18;
	v34 =	vld.idx.msk [tilespmem:v50+s23+$0x0], $0xffff;
	v28 =	vmul.f32 v46, v55  }
0x101: {  	s12 =	sadd.s32 $0x1, s12;
	v42 =	vadd.s32 s9, v0;
	v16 =	vadd.f32 v45, v16;
	v17 =	vmov v55;
	v39 =	vld.idx.msk [tilespmem:v52+s23+$0x0], $0xffff  }
0x102: {  	_ =	sdelay $0x3  }
0x103: {  	vm0 =	vgt.u32 v42, $0x3F;
	v43 =	vadd.s32 s9, v2;
	v38 =	vld.idx.msk [tilespmem:v38+s23+$0x0], $0xffff  }
0x104: {  	v37 =	vld.idx.msk [tilespmem:v37+s23+$0x0], $0xffff;
	v42 =	vsel vm0, v43, v42  }
0x105: {  	v36 =	vld.idx.msk [tilespmem:v36+s23+$0x0], $0xffff;
	v43 =	vadd.s32 v14, v42  }
0x106: {  	v33 =	vld.idx.msk [tilespmem:v33+s23+$0x0], $0xffff;
	s12 =	sand.u32 $0x38, s9;
	v44 =	vadd.s32 v1, v42  }
0x107: {  	v31 =	vld.idx.msk [tilespmem:v31+s23+$0x0], $0xffff;
	s17 =	sand.u32 $0x7, s9;
	s0 =	sadd.s32 s12, s0;
	v45 =	vadd.s32 v3, v42  }
0x108: {  	v30 =	vld.idx.msk [tilespmem:v30+s23+$0x0], $0xffff;
	v46 =	vadd.s32 v4, v42;
	s0 =	sadd.s32 s17, s0  }
0x109: {  	v47 =	vadd.s32 v5, v42;
	v49 =	vld [tilespmem:s0+$0x0]  }
0x10a: {  	v48 =	vadd.s32 v6, v42;
	v43 =	vld.idx.msk [tilespmem:v43+s23+$0x0], $0xffff  }
0x10b: {  	v50 =	vadd.s32 v7, v42;
	v44 =	vld.idx.msk [tilespmem:v44+s23+$0x0], $0xffff  }
0x10c: {  	v40 =	vmul.f32 v40, v17;
	v51 =	vadd.s32 v8, v42;
	v45 =	vld.idx.msk [tilespmem:v45+s23+$0x0], $0xffff  }
0x10d: {  	v41 =	vmul.f32 v41, v17;
	v32 =	vmul.f32 v32, v17;
	v52 =	vadd.s32 v9, v42;
	v46 =	vld.idx.msk [tilespmem:v46+s23+$0x0], $0xffff  }
0x10e: {  	v53 =	vadd.s32 v10, v42;
	v54 =	vadd.s32 v11, v42;
	v29 =	vadd.f32 v40, v29;
	v47 =	vld.idx.msk [tilespmem:v47+s23+$0x0], $0xffff  }
0x10f: {  	v57 =	vadd.s32 v12, v42;
	v35 =	vmul.f32 v35, v17;
	v42 =	vadd.s32 v13, v42;
	v56 =	vld.idx.msk [tilespmem:v48+s23+$0x0], $0xffff  }
0x110: {  	v27 =	vadd.f32 v41, v27;
	v34 =	vmul.f32 v34, v17;
	v39 =	vmul.f32 v39, v17;
	v50 =	vld.idx.msk [tilespmem:v50+s23+$0x0], $0xffff  }
0x111: {  	v26 =	vadd.f32 v32, v26;
	v38 =	vmul.f32 v38, v17;
	v37 =	vmul.f32 v37, v17;
	v51 =	vld.idx.msk [tilespmem:v51+s23+$0x0], $0xffff  }
0x112: {  	v25 =	vadd.f32 v35, v25;
	v59 =	vmul.f32 v36, v17;
	v58 =	vld.idx.msk [tilespmem:v52+s23+$0x0], $0xffff;
	v60 =	vmul.f32 v44, v49  }
0x113: {  	s18 =	smul.u32 $0x320, s1;
	v33 =	vmul.f32 v33, v17;
	v24 =	vadd.f32 v34, v24;
	v61 =	vld.idx.msk [tilespmem:v53+s23+$0x0], $0xffff;
	v62 =	vmul.f32 v45, v49  }
0x114: {  	v31 =	vmul.f32 v31, v17;
	v63 =	vld.idx.msk [tilespmem:v54+s23+$0x0], $0xffff;
	v46 =	vmul.f32 v46, v49;
	v29 =	vadd.f32 v60, v29  }
0x115: {  	s0 =	sshra.s32 s18, $0x2;
	v23 =	vadd.f32 v39, v23;
	v48 =	vld.idx.msk [tilespmem:v57+s23+$0x0], $0xffff;
	v53 =	vmul.f32 v47, v49;
	v27 =	vadd.f32 v62, v27  }
0x116: {  	v52 =	vld.idx.msk [tilespmem:v42+s23+$0x0], $0xffff;
	v54 =	vmul.f32 v56, v49;
	v26 =	vadd.f32 v46, v26;
	[tilespmem:s0+$0x9000] =	vst v29  }
0x117: {  	v22 =	vadd.f32 v38, v22;
	v55 =	vmul.f32 v50, v49;
	v25 =	vadd.f32 v53, v25;
	[tilespmem:s0+$0x9010] =	vst v27  }
0x118: {  	v21 =	vadd.f32 v37, v21;
	v57 =	vmul.f32 v51, v49;
	v24 =	vadd.f32 v54, v24;
	[tilespmem:s0+$0x9020] =	vst v26  }
0x119: {  	v20 =	vadd.f32 v59, v20;
	v58 =	vmul.f32 v58, v49;
	v23 =	vadd.f32 v55, v23;
	[tilespmem:s0+$0x9030] =	vst v25  }
0x11a: {  	v18 =	vadd.f32 v31, v18;
	v59 =	vmul.f32 v61, v49;
	v22 =	vadd.f32 v57, v22;
	[tilespmem:s0+$0x9040] =	vst v24  }
0x11b: {  	v56 =	vmul.f32 v30, v17;
	v61 =	vmul.f32 v48, v49;
	v21 =	vadd.f32 v58, v21;
	[tilespmem:s0+$0x9050] =	vst v23  }
0x11c: {  	s31 =	sadd.s32 $0x1, s31;
	v19 =	vadd.f32 v33, v19;
	v60 =	vmul.f32 v63, v49;
	v20 =	vadd.f32 v59, v20;
	[tilespmem:s0+$0x9060] =	vst v22  }
0x11d: {  	p0 =	sne.s32 s31, $0x20;
	v16 =	vadd.f32 v56, v16;
	v62 =	vmul.f32 v52, v49;
	v18 =	vadd.f32 v61, v18;
	[tilespmem:s0+$0x9070] =	vst v21  }
.Ltmp4:
0x11e: {  	v15 =	vadd.f32 v28, v15;
	v63 =	vmul.f32 v43, v49;
	v19 =	vadd.f32 v60, v19;
	[tilespmem:s0+$0x9080] =	vst v20;
	(pc) =	sbr.rel @p0 .LBB2_2-.Ltmp4, $4  }
0x11f: {  	v16 =	vadd.f32 v62, v16;
	[tilespmem:s0+$0x90A0] =	vst v18  }
0x120: {  	v15 =	vadd.f32 v63, v15;
	[tilespmem:s0+$0x9090] =	vst v19  }
0x121: {  	[tilespmem:s0+$0x90B0] =	vst v16  }
0x122: {  	[tilespmem:s0+$0x90B8] =	vst v15  }
0x123: {  	s30 =	sadd.s32 $0x1, s30  }
0x124: {  	p0 =	sne.s32 s30, s7  }
.Ltmp5:
0x125: {  	_ = 	snop;
	(pc) =	sbr.rel @p0 .LBB2_1-.Ltmp5, $4  }
0x126: {  	[hbm4b:s6+s2] =	stream.linear.scatter [tilespmem:s29], [sflag:$0x5], $0x6400, $0x38;
	[tilespmem:$0x1BC00] =	vst v63  }
0x127: {  	_ =	swait.ge [sflag:s8], $0x6400  }
0x128: {  	[sflag:s8] =	ssyncset.done $0x0  }
0x129: {  	[sflag:s8] =	ssyncadd.s32 $0xFFFF9C00  }
0x12a: {  	_ =	sfence.sel $0x180000  }
0x12b: {  	[bflag:$0x0] =	sbarrier.arrive $0xFFFF  }
0x12c: {  	_ =	strace $0x90000047  }
0x12d: {  	s0 =	stileid.u32;
	[bflag:$0x2] =	sbarrier.arrive $0xFFFF  }
0x12e: {  	p0 =	sne.s32 s0, $0x0;
	s0 =	rddreg [dreg:$0x2]  }
0x12f: {  	s0 =	sadd.s32 @!p0 $0x100000, s0  }
0x130: {  	[sflag:s0] =	ssyncadd.tile.s32 @!p0 $0x1;
	_ =	shalt  }
.Lfunc_end2:
_tile_overlayer_lowered:
.L_overlay_start_2:
0x131: {  	(tag) =	ssettag $0x2  }
0x132: {  	s0 =	rddreg [dreg:$0x0];
	s2 =	stileid.u32  }
0x133: {  	s1 =	rddreg [dreg:$0x1];
	p0 =	sne.s32 s2, $0x0  }
0x134: {  	s3 =	rddreg [dreg:$0x2];
	[bflag:$0x3] =	sbarrier.arrive $0xFFFF;
	s2 =	simm.s32 @!p0 $0x1C05  }
0x135: {  	[timem:s3], [sflag:s2] =	dma.local @!p0 [hbm:s0], s1  }
0x136: {  	s0 =	simm.s32 @!p0 $0x5  }
0x137: {  	_ =	swait.ge @!p0 [sflag:s0], s1  }
0x138: {  	s1 =	ssub.s32 @!p0 $0x0, s1;
	[sflag:s0] =	ssyncset.done @!p0 $0x0  }
0x139: {  	[sflag:s0] =	ssyncadd.s32 @!p0 s1  }
0x13a: {  	[bflag:$0x3] =	sbarrier.arrive $0xFFFF  }
0x13b: {  	_ =	shalt  }

</sc_bundles>
